<compile_context>
chip_gen: v7x
topology: tpu7x:2x2x1
jax: 0.10.2.dev20260603
libtpu: 0.0.44.dev20260713+nightly
codegen_flags: <defaults>
</compile_context>

<pallas_src>
import functools

import jax
import jax.numpy as jnp
from jax import lax
from jax.experimental import pallas as pl
from jax.experimental.pallas import tpu as pltpu
from jax.experimental.pallas import tpu_sc as plsc

N = 1_000_000
B = 16_384
NC = 2
NS = 16
L = 16
NW = NC * NS
SHIFT = 15
CHUNK = 1 << SHIFT
FULL = N // CHUNK
LAST = N - FULL * CHUNK
STEPS = B // L
NSEG = 4
SEG = B // NSEG


def _scatter_body(idx_hbm, out_hbm, idx_v, buf_v, idx_sh, *sems):
    sid = lax.axis_index("s")
    wid = sid * NC + lax.axis_index("c")

    sh_copy = pltpu.make_async_copy(idx_hbm, idx_sh, sems[NSEG])

    @pl.when(sid == 0)
    def _():
        sh_copy.start()

    zeros = jnp.zeros((L,), jnp.int32)

    def zero_step(k, carry):
        buf_v[pl.ds(k * L, L)] = zeros
        return carry

    @pl.when(wid < FULL)
    def _():
        lax.fori_loop(0, CHUNK // L, zero_step, 0, unroll=16)

    @pl.when(wid == FULL)
    def _():
        lax.fori_loop(0, LAST // L, zero_step, 0, unroll=16)

    @pl.when(sid == 0)
    def _():
        sh_copy.wait()

    plsc.subcore_barrier()

    copies = []
    for k in range(NSEG):
        copies.append(
            pltpu.async_copy(
                idx_sh.at[pl.ds(k * SEG, SEG)],
                idx_v.at[pl.ds(k * SEG, SEG)],
                sems[k],
            )
        )

    iota = lax.iota(jnp.int32, L)
    spill_u = plsc.bitcast(iota + CHUNK, jnp.uint32)
    lo = wid * CHUNK

    def scan_step(step, carry):
        idxv = idx_v[pl.ds(step * L, L)]
        u = plsc.bitcast(idxv - lo, jnp.uint32)
        lidx = plsc.bitcast(jnp.minimum(u, spill_u), jnp.int32)
        plsc.store_scatter(buf_v, [lidx], iota + step * L)
        return carry

    seg_steps = SEG // L
    for k in range(NSEG):
        copies[k].wait()
        lax.fori_loop(
            k * seg_steps, (k + 1) * seg_steps, scan_step, 0, unroll=4
        )

    @pl.when(wid < FULL)
    def _():
        pltpu.sync_copy(
            buf_v.at[pl.ds(0, CHUNK)], out_hbm.at[pl.ds(wid * CHUNK, CHUNK)]
        )

    @pl.when(wid == FULL)
    def _():
        pltpu.sync_copy(
            buf_v.at[pl.ds(0, LAST)],
            out_hbm.at[pl.ds(FULL * CHUNK, LAST)],
        )


_scatter_kernel = functools.partial(
    pl.kernel,
    out_type=jax.ShapeDtypeStruct((N,), jnp.int32),
    mesh=plsc.VectorSubcoreMesh(
        core_axis_name="c", subcore_axis_name="s", num_cores=NC, num_subcores=NS
    ),
    scratch_types=[
        pltpu.VMEM((B,), jnp.int32),
        pltpu.VMEM((CHUNK + L,), jnp.int32),
        pltpu.VMEM_SHARED((B,), jnp.int32),
        pltpu.SemaphoreType.DMA,
        pltpu.SemaphoreType.DMA,
        pltpu.SemaphoreType.DMA,
        pltpu.SemaphoreType.DMA,
        pltpu.SemaphoreType.DMA,
    ],
    compiler_params=pltpu.CompilerParams(needs_layout_passes=False),
)(_scatter_body)


def kernel(X, row_missing_idx):
    del X
    return _scatter_kernel(row_missing_idx.astype(jnp.int32))

# --- scband reference (transcript-rebuilt; emitter-appended) ---
"""Pipeline reference for scband-make-dict-idx-map-11879879543660 (READ-ONLY COPY).

The authoritative reference and input builder live on the scoring server;
editing this copy changes nothing except your own understanding.
"""

import jax, jax.numpy as jnp
import numpy as np


def setup_inputs(seed: int = 0) -> dict:
    key = jax.random.key(seed)
    kx, ki = jax.random.split(key)
    X = jax.random.normal(kx, (1000000, 64), dtype=jnp.float32)
    row_missing_idx = jax.random.randint(ki, (16384,), 0, 1000000, dtype=jnp.int64 if jax.config.read('jax_enable_x64') else jnp.int32)
    return {"X": X, "row_missing_idx": row_missing_idx}


def reference(X, row_missing_idx):
    # dist_idx_map = zeros(N, int); dist_idx_map[row_missing_idx] = arange(B)
    dist_idx_map = jnp.zeros((X.shape[0],), dtype=jnp.int32)
    dist_idx_map = dist_idx_map.at[row_missing_idx].set(
        jnp.arange(row_missing_idx.shape[0], dtype=jnp.int32)
    )
    return dist_idx_map

if __name__ == "__main__":
    import jax
    _d = setup_inputs()
    print(jax.jit(kernel)(*tuple(_d.values())))

</pallas_src>

<mosaic_0001>
#map = affine_map<(d0, d1) -> (0)>
module attributes {stable_mosaic.version = 14 : i64} {
  func.func @_scatter_body(%arg0: i32, %arg1: i32, %arg2: memref<16384xi32, #tpu.memory_space<hbm>>, %arg3: memref<1000000xi32, #tpu.memory_space<hbm>>, %arg4: memref<16384xi32, #tpu.memory_space<vmem>>, %arg5: memref<32784xi32, #tpu.memory_space<vmem>>, %arg6: memref<16384xi32, #tpu.memory_space<vmem_shared>>, %arg7: memref<!tpu.dma_semaphore, #tpu.memory_space<semaphore_mem>>, %arg8: memref<!tpu.dma_semaphore, #tpu.memory_space<semaphore_mem>>, %arg9: memref<!tpu.dma_semaphore, #tpu.memory_space<semaphore_mem>>, %arg10: memref<!tpu.dma_semaphore, #tpu.memory_space<semaphore_mem>>, %arg11: memref<!tpu.dma_semaphore, #tpu.memory_space<semaphore_mem>>) attributes {dimension_semantics = [#tpu.dimension_semantics<core_parallel>, #tpu.dimension_semantics<subcore_parallel>], iteration_bounds = array<i64: 2, 16>, scalar_prefetch = 0 : i64, scratch_operands = 8 : i64, tpu.core_type = #tpu.core_type<sc_vector_subcore>, window_params = [{transform_indices = #map}, {transform_indices = #map}]} {
    %mul3A = arith.constant 2 : i32
    %mul3A_0 = arith.muli %arg1, %mul3A : i32
    %add3A = arith.addi %mul3A_0, %arg0 : i32
    %eq3A = arith.constant 0 : i32
    %eq3A_1 = arith.cmpi eq, %arg1, %eq3A : i32
    %convert_element_type3A = arith.extui %eq3A_1 : i1 to i32
    %cond3A = arith.constant 0 : i32
    %cond3A_2 = arith.cmpi ne, %convert_element_type3A, %cond3A : i32
    scf.if %cond3A_2 {
      tpu.enqueue_dma source(%arg2 : memref<16384xi32, #tpu.memory_space<hbm>>) target(%arg6 : memref<16384xi32, #tpu.memory_space<vmem_shared>>) target_semaphore(%arg11 : memref<!tpu.dma_semaphore, #tpu.memory_space<semaphore_mem>>)
    } else {
    }
    %broadcast_in_dim3A = arith.constant 0 : i32
    %broadcast_in_dim3A_3 = vector.broadcast %broadcast_in_dim3A : i32 to vector<16xi32>
    %lt3A = arith.constant 30 : i32
    %lt3A_4 = arith.cmpi slt, %add3A, %lt3A : i32
    %convert_element_type3A_5 = arith.extui %lt3A_4 : i1 to i32
    %cond3A_6 = arith.constant 0 : i32
    %cond3A_7 = arith.cmpi ne, %convert_element_type3A_5, %cond3A_6 : i32
    scf.if %cond3A_7 {
      %scan3A_118 = arith.constant 0 : i32
      %scan3A_119 = arith.constant 0 : i32
      %scan3A_120 = arith.constant 2048 : i32
      %scan3A_121 = arith.addi %scan3A_119, %scan3A_120 : i32
      %scan3A_122 = arith.constant 16 : i32
      scf.for %scan3A_124 = %scan3A_119 to %scan3A_121 step %scan3A_122  : i32 {
        %mul3A_125 = arith.constant 16 : i32
        %mul3A_126 = arith.muli %scan3A_124, %mul3A_125 : i32
        %swap3A = arith.index_cast %mul3A_126 : i32 to index
        %swap3A_127 = tpu.vector_load %arg5[%swap3A] {strides = array<i32>} : memref<32784xi32, #tpu.memory_space<vmem>>, vector<16xi32>,
        tpu.vector_store %arg5[%swap3A], %broadcast_in_dim3A_3 {strides = array<i32>} : memref<32784xi32, #tpu.memory_space<vmem>>, vector<16xi32>,
        %scan3A_128 = arith.constant 1 : i32
        %scan3A_129 = arith.addi %scan3A_124, %scan3A_128 : i32
        %mul3A_130 = arith.constant 16 : i32
        %mul3A_131 = arith.muli %scan3A_129, %mul3A_130 : i32
        %swap3A_132 = arith.index_cast %mul3A_131 : i32 to index
        %swap3A_133 = tpu.vector_load %arg5[%swap3A_132] {strides = array<i32>} : memref<32784xi32, #tpu.memory_space<vmem>>, vector<16xi32>,
        tpu.vector_store %arg5[%swap3A_132], %broadcast_in_dim3A_3 {strides = array<i32>} : memref<32784xi32, #tpu.memory_space<vmem>>, vector<16xi32>,
        %scan3A_134 = arith.constant 2 : i32
        %scan3A_135 = arith.addi %scan3A_124, %scan3A_134 : i32
        %mul3A_136 = arith.constant 16 : i32
        %mul3A_137 = arith.muli %scan3A_135, %mul3A_136 : i32
        %swap3A_138 = arith.index_cast %mul3A_137 : i32 to index
        %swap3A_139 = tpu.vector_load %arg5[%swap3A_138] {strides = array<i32>} : memref<32784xi32, #tpu.memory_space<vmem>>, vector<16xi32>,
        tpu.vector_store %arg5[%swap3A_138], %broadcast_in_dim3A_3 {strides = array<i32>} : memref<32784xi32, #tpu.memory_space<vmem>>, vector<16xi32>,
        %scan3A_140 = arith.constant 3 : i32
        %scan3A_141 = arith.addi %scan3A_124, %scan3A_140 : i32
        %mul3A_142 = arith.constant 16 : i32
        %mul3A_143 = arith.muli %scan3A_141, %mul3A_142 : i32
        %swap3A_144 = arith.index_cast %mul3A_143 : i32 to index
        %swap3A_145 = tpu.vector_load %arg5[%swap3A_144] {strides = array<i32>} : memref<32784xi32, #tpu.memory_space<vmem>>, vector<16xi32>,
        tpu.vector_store %arg5[%swap3A_144], %broadcast_in_dim3A_3 {strides = array<i32>} : memref<32784xi32, #tpu.memory_space<vmem>>, vector<16xi32>,
        %scan3A_146 = arith.constant 4 : i32
        %scan3A_147 = arith.addi %scan3A_124, %scan3A_146 : i32
        %mul3A_148 = arith.constant 16 : i32
        %mul3A_149 = arith.muli %scan3A_147, %mul3A_148 : i32
        %swap3A_150 = arith.index_cast %mul3A_149 : i32 to index
        %swap3A_151 = tpu.vector_load %arg5[%swap3A_150] {strides = array<i32>} : memref<32784xi32, #tpu.memory_space<vmem>>, vector<16xi32>,
        tpu.vector_store %arg5[%swap3A_150], %broadcast_in_dim3A_3 {strides = array<i32>} : memref<32784xi32, #tpu.memory_space<vmem>>, vector<16xi32>,
        %scan3A_152 = arith.constant 5 : i32
        %scan3A_153 = arith.addi %scan3A_124, %scan3A_152 : i32
        %mul3A_154 = arith.constant 16 : i32
        %mul3A_155 = arith.muli %scan3A_153, %mul3A_154 : i32
        %swap3A_156 = arith.index_cast %mul3A_155 : i32 to index
        %swap3A_157 = tpu.vector_load %arg5[%swap3A_156] {strides = array<i32>} : memref<32784xi32, #tpu.memory_space<vmem>>, vector<16xi32>,
        tpu.vector_store %arg5[%swap3A_156], %broadcast_in_dim3A_3 {strides = array<i32>} : memref<32784xi32, #tpu.memory_space<vmem>>, vector<16xi32>,
        %scan3A_158 = arith.constant 6 : i32
        %scan3A_159 = arith.addi %scan3A_124, %scan3A_158 : i32
        %mul3A_160 = arith.constant 16 : i32
        %mul3A_161 = arith.muli %scan3A_159, %mul3A_160 : i32
        %swap3A_162 = arith.index_cast %mul3A_161 : i32 to index
        %swap3A_163 = tpu.vector_load %arg5[%swap3A_162] {strides = array<i32>} : memref<32784xi32, #tpu.memory_space<vmem>>, vector<16xi32>,
        tpu.vector_store %arg5[%swap3A_162], %broadcast_in_dim3A_3 {strides = array<i32>} : memref<32784xi32, #tpu.memory_space<vmem>>, vector<16xi32>,
        %scan3A_164 = arith.constant 7 : i32
        %scan3A_165 = arith.addi %scan3A_124, %scan3A_164 : i32
        %mul3A_166 = arith.constant 16 : i32
        %mul3A_167 = arith.muli %scan3A_165, %mul3A_166 : i32
        %swap3A_168 = arith.index_cast %mul3A_167 : i32 to index
        %swap3A_169 = tpu.vector_load %arg5[%swap3A_168] {strides = array<i32>} : memref<32784xi32, #tpu.memory_space<vmem>>, vector<16xi32>,
        tpu.vector_store %arg5[%swap3A_168], %broadcast_in_dim3A_3 {strides = array<i32>} : memref<32784xi32, #tpu.memory_space<vmem>>, vector<16xi32>,
        %scan3A_170 = arith.constant 8 : i32
        %scan3A_171 = arith.addi %scan3A_124, %scan3A_170 : i32
        %mul3A_172 = arith.constant 16 : i32
        %mul3A_173 = arith.muli %scan3A_171, %mul3A_172 : i32
        %swap3A_174 = arith.index_cast %mul3A_173 : i32 to index
        %swap3A_175 = tpu.vector_load %arg5[%swap3A_174] {strides = array<i32>} : memref<32784xi32, #tpu.memory_space<vmem>>, vector<16xi32>,
        tpu.vector_store %arg5[%swap3A_174], %broadcast_in_dim3A_3 {strides = array<i32>} : memref<32784xi32, #tpu.memory_space<vmem>>, vector<16xi32>,
        %scan3A_176 = arith.constant 9 : i32
        %scan3A_177 = arith.addi %scan3A_124, %scan3A_176 : i32
        %mul3A_178 = arith.constant 16 : i32
        %mul3A_179 = arith.muli %scan3A_177, %mul3A_178 : i32
        %swap3A_180 = arith.index_cast %mul3A_179 : i32 to index
        %swap3A_181 = tpu.vector_load %arg5[%swap3A_180] {strides = array<i32>} : memref<32784xi32, #tpu.memory_space<vmem>>, vector<16xi32>,
        tpu.vector_store %arg5[%swap3A_180], %broadcast_in_dim3A_3 {strides = array<i32>} : memref<32784xi32, #tpu.memory_space<vmem>>, vector<16xi32>,
        %scan3A_182 = arith.constant 10 : i32
        %scan3A_183 = arith.addi %scan3A_124, %scan3A_182 : i32
        %mul3A_184 = arith.constant 16 : i32
        %mul3A_185 = arith.muli %scan3A_183, %mul3A_184 : i32
        %swap3A_186 = arith.index_cast %mul3A_185 : i32 to index
        %swap3A_187 = tpu.vector_load %arg5[%swap3A_186] {strides = array<i32>} : memref<32784xi32, #tpu.memory_space<vmem>>, vector<16xi32>,
        tpu.vector_store %arg5[%swap3A_186], %broadcast_in_dim3A_3 {strides = array<i32>} : memref<32784xi32, #tpu.memory_space<vmem>>, vector<16xi32>,
        %scan3A_188 = arith.constant 11 : i32
        %scan3A_189 = arith.addi %scan3A_124, %scan3A_188 : i32
        %mul3A_190 = arith.constant 16 : i32
        %mul3A_191 = arith.muli %scan3A_189, %mul3A_190 : i32
        %swap3A_192 = arith.index_cast %mul3A_191 : i32 to index
        %swap3A_193 = tpu.vector_load %arg5[%swap3A_192] {strides = array<i32>} : memref<32784xi32, #tpu.memory_space<vmem>>, vector<16xi32>,
        tpu.vector_store %arg5[%swap3A_192], %broadcast_in_dim3A_3 {strides = array<i32>} : memref<32784xi32, #tpu.memory_space<vmem>>, vector<16xi32>,
        %scan3A_194 = arith.constant 12 : i32
        %scan3A_195 = arith.addi %scan3A_124, %scan3A_194 : i32
        %mul3A_196 = arith.constant 16 : i32
        %mul3A_197 = arith.muli %scan3A_195, %mul3A_196 : i32
        %swap3A_198 = arith.index_cast %mul3A_197 : i32 to index
        %swap3A_199 = tpu.vector_load %arg5[%swap3A_198] {strides = array<i32>} : memref<32784xi32, #tpu.memory_space<vmem>>, vector<16xi32>,
        tpu.vector_store %arg5[%swap3A_198], %broadcast_in_dim3A_3 {strides = array<i32>} : memref<32784xi32, #tpu.memory_space<vmem>>, vector<16xi32>,
        %scan3A_200 = arith.constant 13 : i32
        %scan3A_201 = arith.addi %scan3A_124, %scan3A_200 : i32
        %mul3A_202 = arith.constant 16 : i32
        %mul3A_203 = arith.muli %scan3A_201, %mul3A_202 : i32
        %swap3A_204 = arith.index_cast %mul3A_203 : i32 to index
        %swap3A_205 = tpu.vector_load %arg5[%swap3A_204] {strides = array<i32>} : memref<32784xi32, #tpu.memory_space<vmem>>, vector<16xi32>,
        tpu.vector_store %arg5[%swap3A_204], %broadcast_in_dim3A_3 {strides = array<i32>} : memref<32784xi32, #tpu.memory_space<vmem>>, vector<16xi32>,
        %scan3A_206 = arith.constant 14 : i32
        %scan3A_207 = arith.addi %scan3A_124, %scan3A_206 : i32
        %mul3A_208 = arith.constant 16 : i32
        %mul3A_209 = arith.muli %scan3A_207, %mul3A_208 : i32
        %swap3A_210 = arith.index_cast %mul3A_209 : i32 to index
        %swap3A_211 = tpu.vector_load %arg5[%swap3A_210] {strides = array<i32>} : memref<32784xi32, #tpu.memory_space<vmem>>, vector<16xi32>,
        tpu.vector_store %arg5[%swap3A_210], %broadcast_in_dim3A_3 {strides = array<i32>} : memref<32784xi32, #tpu.memory_space<vmem>>, vector<16xi32>,
        %scan3A_212 = arith.constant 15 : i32
        %scan3A_213 = arith.addi %scan3A_124, %scan3A_212 : i32
        %mul3A_214 = arith.constant 16 : i32
        %mul3A_215 = arith.muli %scan3A_213, %mul3A_214 : i32
        %swap3A_216 = arith.index_cast %mul3A_215 : i32 to index
        %swap3A_217 = tpu.vector_load %arg5[%swap3A_216] {strides = array<i32>} : memref<32784xi32, #tpu.memory_space<vmem>>, vector<16xi32>,
        tpu.vector_store %arg5[%swap3A_216], %broadcast_in_dim3A_3 {strides = array<i32>} : memref<32784xi32, #tpu.memory_space<vmem>>, vector<16xi32>,
      }
      %scan3A_123 = arith.constant 2048 : i32
    } else {
    }
    %eq3A_8 = arith.constant 30 : i32
    %eq3A_9 = arith.cmpi eq, %add3A, %eq3A_8 : i32
    %convert_element_type3A_10 = arith.extui %eq3A_9 : i1 to i32
    %cond3A_11 = arith.constant 0 : i32
    %cond3A_12 = arith.cmpi ne, %convert_element_type3A_10, %cond3A_11 : i32
    scf.if %cond3A_12 {
      %scan3A_118 = arith.constant 0 : i32
      %scan3A_119 = arith.constant 0 : i32
      %scan3A_120 = arith.constant 1056 : i32
      %scan3A_121 = arith.addi %scan3A_119, %scan3A_120 : i32
      %scan3A_122 = arith.constant 16 : i32
      scf.for %scan3A_147 = %scan3A_119 to %scan3A_121 step %scan3A_122  : i32 {
        %mul3A_148 = arith.constant 16 : i32
        %mul3A_149 = arith.muli %scan3A_147, %mul3A_148 : i32
        %swap3A_150 = arith.index_cast %mul3A_149 : i32 to index
        %swap3A_151 = tpu.vector_load %arg5[%swap3A_150] {strides = array<i32>} : memref<32784xi32, #tpu.memory_space<vmem>>, vector<16xi32>,
        tpu.vector_store %arg5[%swap3A_150], %broadcast_in_dim3A_3 {strides = array<i32>} : memref<32784xi32, #tpu.memory_space<vmem>>, vector<16xi32>,
        %scan3A_152 = arith.constant 1 : i32
        %scan3A_153 = arith.addi %scan3A_147, %scan3A_152 : i32
        %mul3A_154 = arith.constant 16 : i32
        %mul3A_155 = arith.muli %scan3A_153, %mul3A_154 : i32
        %swap3A_156 = arith.index_cast %mul3A_155 : i32 to index
        %swap3A_157 = tpu.vector_load %arg5[%swap3A_156] {strides = array<i32>} : memref<32784xi32, #tpu.memory_space<vmem>>, vector<16xi32>,
        tpu.vector_store %arg5[%swap3A_156], %broadcast_in_dim3A_3 {strides = array<i32>} : memref<32784xi32, #tpu.memory_space<vmem>>, vector<16xi32>,
        %scan3A_158 = arith.constant 2 : i32
        %scan3A_159 = arith.addi %scan3A_147, %scan3A_158 : i32
        %mul3A_160 = arith.constant 16 : i32
        %mul3A_161 = arith.muli %scan3A_159, %mul3A_160 : i32
        %swap3A_162 = arith.index_cast %mul3A_161 : i32 to index
        %swap3A_163 = tpu.vector_load %arg5[%swap3A_162] {strides = array<i32>} : memref<32784xi32, #tpu.memory_space<vmem>>, vector<16xi32>,
        tpu.vector_store %arg5[%swap3A_162], %broadcast_in_dim3A_3 {strides = array<i32>} : memref<32784xi32, #tpu.memory_space<vmem>>, vector<16xi32>,
        %scan3A_164 = arith.constant 3 : i32
        %scan3A_165 = arith.addi %scan3A_147, %scan3A_164 : i32
        %mul3A_166 = arith.constant 16 : i32
        %mul3A_167 = arith.muli %scan3A_165, %mul3A_166 : i32
        %swap3A_168 = arith.index_cast %mul3A_167 : i32 to index
        %swap3A_169 = tpu.vector_load %arg5[%swap3A_168] {strides = array<i32>} : memref<32784xi32, #tpu.memory_space<vmem>>, vector<16xi32>,
        tpu.vector_store %arg5[%swap3A_168], %broadcast_in_dim3A_3 {strides = array<i32>} : memref<32784xi32, #tpu.memory_space<vmem>>, vector<16xi32>,
        %scan3A_170 = arith.constant 4 : i32
        %scan3A_171 = arith.addi %scan3A_147, %scan3A_170 : i32
        %mul3A_172 = arith.constant 16 : i32
        %mul3A_173 = arith.muli %scan3A_171, %mul3A_172 : i32
        %swap3A_174 = arith.index_cast %mul3A_173 : i32 to index
        %swap3A_175 = tpu.vector_load %arg5[%swap3A_174] {strides = array<i32>} : memref<32784xi32, #tpu.memory_space<vmem>>, vector<16xi32>,
        tpu.vector_store %arg5[%swap3A_174], %broadcast_in_dim3A_3 {strides = array<i32>} : memref<32784xi32, #tpu.memory_space<vmem>>, vector<16xi32>,
        %scan3A_176 = arith.constant 5 : i32
        %scan3A_177 = arith.addi %scan3A_147, %scan3A_176 : i32
        %mul3A_178 = arith.constant 16 : i32
        %mul3A_179 = arith.muli %scan3A_177, %mul3A_178 : i32
        %swap3A_180 = arith.index_cast %mul3A_179 : i32 to index
        %swap3A_181 = tpu.vector_load %arg5[%swap3A_180] {strides = array<i32>} : memref<32784xi32, #tpu.memory_space<vmem>>, vector<16xi32>,
        tpu.vector_store %arg5[%swap3A_180], %broadcast_in_dim3A_3 {strides = array<i32>} : memref<32784xi32, #tpu.memory_space<vmem>>, vector<16xi32>,
        %scan3A_182 = arith.constant 6 : i32
        %scan3A_183 = arith.addi %scan3A_147, %scan3A_182 : i32
        %mul3A_184 = arith.constant 16 : i32
        %mul3A_185 = arith.muli %scan3A_183, %mul3A_184 : i32
        %swap3A_186 = arith.index_cast %mul3A_185 : i32 to index
        %swap3A_187 = tpu.vector_load %arg5[%swap3A_186] {strides = array<i32>} : memref<32784xi32, #tpu.memory_space<vmem>>, vector<16xi32>,
        tpu.vector_store %arg5[%swap3A_186], %broadcast_in_dim3A_3 {strides = array<i32>} : memref<32784xi32, #tpu.memory_space<vmem>>, vector<16xi32>,
        %scan3A_188 = arith.constant 7 : i32
        %scan3A_189 = arith.addi %scan3A_147, %scan3A_188 : i32
        %mul3A_190 = arith.constant 16 : i32
        %mul3A_191 = arith.muli %scan3A_189, %mul3A_190 : i32
        %swap3A_192 = arith.index_cast %mul3A_191 : i32 to index
        %swap3A_193 = tpu.vector_load %arg5[%swap3A_192] {strides = array<i32>} : memref<32784xi32, #tpu.memory_space<vmem>>, vector<16xi32>,
        tpu.vector_store %arg5[%swap3A_192], %broadcast_in_dim3A_3 {strides = array<i32>} : memref<32784xi32, #tpu.memory_space<vmem>>, vector<16xi32>,
        %scan3A_194 = arith.constant 8 : i32
        %scan3A_195 = arith.addi %scan3A_147, %scan3A_194 : i32
        %mul3A_196 = arith.constant 16 : i32
        %mul3A_197 = arith.muli %scan3A_195, %mul3A_196 : i32
        %swap3A_198 = arith.index_cast %mul3A_197 : i32 to index
        %swap3A_199 = tpu.vector_load %arg5[%swap3A_198] {strides = array<i32>} : memref<32784xi32, #tpu.memory_space<vmem>>, vector<16xi32>,
        tpu.vector_store %arg5[%swap3A_198], %broadcast_in_dim3A_3 {strides = array<i32>} : memref<32784xi32, #tpu.memory_space<vmem>>, vector<16xi32>,
        %scan3A_200 = arith.constant 9 : i32
        %scan3A_201 = arith.addi %scan3A_147, %scan3A_200 : i32
        %mul3A_202 = arith.constant 16 : i32
        %mul3A_203 = arith.muli %scan3A_201, %mul3A_202 : i32
        %swap3A_204 = arith.index_cast %mul3A_203 : i32 to index
        %swap3A_205 = tpu.vector_load %arg5[%swap3A_204] {strides = array<i32>} : memref<32784xi32, #tpu.memory_space<vmem>>, vector<16xi32>,
        tpu.vector_store %arg5[%swap3A_204], %broadcast_in_dim3A_3 {strides = array<i32>} : memref<32784xi32, #tpu.memory_space<vmem>>, vector<16xi32>,
        %scan3A_206 = arith.constant 10 : i32
        %scan3A_207 = arith.addi %scan3A_147, %scan3A_206 : i32
        %mul3A_208 = arith.constant 16 : i32
        %mul3A_209 = arith.muli %scan3A_207, %mul3A_208 : i32
        %swap3A_210 = arith.index_cast %mul3A_209 : i32 to index
        %swap3A_211 = tpu.vector_load %arg5[%swap3A_210] {strides = array<i32>} : memref<32784xi32, #tpu.memory_space<vmem>>, vector<16xi32>,
        tpu.vector_store %arg5[%swap3A_210], %broadcast_in_dim3A_3 {strides = array<i32>} : memref<32784xi32, #tpu.memory_space<vmem>>, vector<16xi32>,
        %scan3A_212 = arith.constant 11 : i32
        %scan3A_213 = arith.addi %scan3A_147, %scan3A_212 : i32
        %mul3A_214 = arith.constant 16 : i32
        %mul3A_215 = arith.muli %scan3A_213, %mul3A_214 : i32
        %swap3A_216 = arith.index_cast %mul3A_215 : i32 to index
        %swap3A_217 = tpu.vector_load %arg5[%swap3A_216] {strides = array<i32>} : memref<32784xi32, #tpu.memory_space<vmem>>, vector<16xi32>,
        tpu.vector_store %arg5[%swap3A_216], %broadcast_in_dim3A_3 {strides = array<i32>} : memref<32784xi32, #tpu.memory_space<vmem>>, vector<16xi32>,
        %scan3A_218 = arith.constant 12 : i32
        %scan3A_219 = arith.addi %scan3A_147, %scan3A_218 : i32
        %mul3A_220 = arith.constant 16 : i32
        %mul3A_221 = arith.muli %scan3A_219, %mul3A_220 : i32
        %swap3A_222 = arith.index_cast %mul3A_221 : i32 to index
        %swap3A_223 = tpu.vector_load %arg5[%swap3A_222] {strides = array<i32>} : memref<32784xi32, #tpu.memory_space<vmem>>, vector<16xi32>,
        tpu.vector_store %arg5[%swap3A_222], %broadcast_in_dim3A_3 {strides = array<i32>} : memref<32784xi32, #tpu.memory_space<vmem>>, vector<16xi32>,
        %scan3A_224 = arith.constant 13 : i32
        %scan3A_225 = arith.addi %scan3A_147, %scan3A_224 : i32
        %mul3A_226 = arith.constant 16 : i32
        %mul3A_227 = arith.muli %scan3A_225, %mul3A_226 : i32
        %swap3A_228 = arith.index_cast %mul3A_227 : i32 to index
        %swap3A_229 = tpu.vector_load %arg5[%swap3A_228] {strides = array<i32>} : memref<32784xi32, #tpu.memory_space<vmem>>, vector<16xi32>,
        tpu.vector_store %arg5[%swap3A_228], %broadcast_in_dim3A_3 {strides = array<i32>} : memref<32784xi32, #tpu.memory_space<vmem>>, vector<16xi32>,
        %scan3A_230 = arith.constant 14 : i32
        %scan3A_231 = arith.addi %scan3A_147, %scan3A_230 : i32
        %mul3A_232 = arith.constant 16 : i32
        %mul3A_233 = arith.muli %scan3A_231, %mul3A_232 : i32
        %swap3A_234 = arith.index_cast %mul3A_233 : i32 to index
        %swap3A_235 = tpu.vector_load %arg5[%swap3A_234] {strides = array<i32>} : memref<32784xi32, #tpu.memory_space<vmem>>, vector<16xi32>,
        tpu.vector_store %arg5[%swap3A_234], %broadcast_in_dim3A_3 {strides = array<i32>} : memref<32784xi32, #tpu.memory_space<vmem>>, vector<16xi32>,
        %scan3A_236 = arith.constant 15 : i32
        %scan3A_237 = arith.addi %scan3A_147, %scan3A_236 : i32
        %mul3A_238 = arith.constant 16 : i32
        %mul3A_239 = arith.muli %scan3A_237, %mul3A_238 : i32
        %swap3A_240 = arith.index_cast %mul3A_239 : i32 to index
        %swap3A_241 = tpu.vector_load %arg5[%swap3A_240] {strides = array<i32>} : memref<32784xi32, #tpu.memory_space<vmem>>, vector<16xi32>,
        tpu.vector_store %arg5[%swap3A_240], %broadcast_in_dim3A_3 {strides = array<i32>} : memref<32784xi32, #tpu.memory_space<vmem>>, vector<16xi32>,
      }
      %scan3A_123 = arith.constant 1056 : i32
      %scan3A_124 = arith.addi %scan3A_119, %scan3A_123 : i32
      %mul3A_125 = arith.constant 16 : i32
      %mul3A_126 = arith.muli %scan3A_124, %mul3A_125 : i32
      %swap3A = arith.index_cast %mul3A_126 : i32 to index
      %swap3A_127 = tpu.vector_load %arg5[%swap3A] {strides = array<i32>} : memref<32784xi32, #tpu.memory_space<vmem>>, vector<16xi32>,
      tpu.vector_store %arg5[%swap3A], %broadcast_in_dim3A_3 {strides = array<i32>} : memref<32784xi32, #tpu.memory_space<vmem>>, vector<16xi32>,
      %scan3A_128 = arith.constant 1057 : i32
      %scan3A_129 = arith.addi %scan3A_119, %scan3A_128 : i32
      %mul3A_130 = arith.constant 16 : i32
      %mul3A_131 = arith.muli %scan3A_129, %mul3A_130 : i32
      %swap3A_132 = arith.index_cast %mul3A_131 : i32 to index
      %swap3A_133 = tpu.vector_load %arg5[%swap3A_132] {strides = array<i32>} : memref<32784xi32, #tpu.memory_space<vmem>>, vector<16xi32>,
      tpu.vector_store %arg5[%swap3A_132], %broadcast_in_dim3A_3 {strides = array<i32>} : memref<32784xi32, #tpu.memory_space<vmem>>, vector<16xi32>,
      %scan3A_134 = arith.constant 1058 : i32
      %scan3A_135 = arith.addi %scan3A_119, %scan3A_134 : i32
      %mul3A_136 = arith.constant 16 : i32
      %mul3A_137 = arith.muli %scan3A_135, %mul3A_136 : i32
      %swap3A_138 = arith.index_cast %mul3A_137 : i32 to index
      %swap3A_139 = tpu.vector_load %arg5[%swap3A_138] {strides = array<i32>} : memref<32784xi32, #tpu.memory_space<vmem>>, vector<16xi32>,
      tpu.vector_store %arg5[%swap3A_138], %broadcast_in_dim3A_3 {strides = array<i32>} : memref<32784xi32, #tpu.memory_space<vmem>>, vector<16xi32>,
      %scan3A_140 = arith.constant 1059 : i32
      %scan3A_141 = arith.addi %scan3A_119, %scan3A_140 : i32
      %mul3A_142 = arith.constant 16 : i32
      %mul3A_143 = arith.muli %scan3A_141, %mul3A_142 : i32
      %swap3A_144 = arith.index_cast %mul3A_143 : i32 to index
      %swap3A_145 = tpu.vector_load %arg5[%swap3A_144] {strides = array<i32>} : memref<32784xi32, #tpu.memory_space<vmem>>, vector<16xi32>,
      tpu.vector_store %arg5[%swap3A_144], %broadcast_in_dim3A_3 {strides = array<i32>} : memref<32784xi32, #tpu.memory_space<vmem>>, vector<16xi32>,
      %scan3A_146 = arith.constant 1060 : i32
    } else {
    }
    %eq3A_13 = arith.constant 0 : i32
    %eq3A_14 = arith.cmpi eq, %arg1, %eq3A_13 : i32
    %convert_element_type3A_15 = arith.extui %eq3A_14 : i1 to i32
    %cond3A_16 = arith.constant 0 : i32
    %cond3A_17 = arith.cmpi ne, %convert_element_type3A_15, %cond3A_16 : i32
    scf.if %cond3A_17 {
      tpu.wait_dma2 semaphore(%arg11 : memref<!tpu.dma_semaphore, #tpu.memory_space<semaphore_mem>>) src(%arg2 : memref<16384xi32, #tpu.memory_space<hbm>>) dst(%arg6 : memref<16384xi32, #tpu.memory_space<vmem_shared>>)
    } else {
    }
    %barrier3A = arith.constant 0 : index
    tpu.barrier barrier_id(%barrier3A)
    %dma_start3A = arith.constant 0 : i32
    %dma_start3A_18 = tpu.memref_slice %arg4[%dma_start3A] : memref<16384xi32, #tpu.memory_space<vmem>> -> memref<4096xi32, #tpu.memory_space<vmem>>
    %dma_start3A_19 = arith.constant 0 : i32
    %dma_start3A_20 = tpu.memref_slice %arg6[%dma_start3A_19] : memref<16384xi32, #tpu.memory_space<vmem_shared>> -> memref<4096xi32, #tpu.memory_space<vmem_shared>>
    %dma_start3A_21 = arith.constant 0 : i32
    %dma_start3A_22 = tpu.memref_slice %arg4[%dma_start3A_21] : memref<16384xi32, #tpu.memory_space<vmem>> -> memref<4096xi32, #tpu.memory_space<vmem>>
    %dma_start3A_23 = arith.constant 0 : i32
    %dma_start3A_24 = tpu.memref_slice %arg6[%dma_start3A_23] : memref<16384xi32, #tpu.memory_space<vmem_shared>> -> memref<4096xi32, #tpu.memory_space<vmem_shared>>
    tpu.enqueue_dma source(%dma_start3A_24 : memref<4096xi32, #tpu.memory_space<vmem_shared>>) target(%dma_start3A_22 : memref<4096xi32, #tpu.memory_space<vmem>>) target_semaphore(%arg7 : memref<!tpu.dma_semaphore, #tpu.memory_space<semaphore_mem>>)
    %dma_start3A_25 = arith.constant 4096 : i32
    %dma_start3A_26 = tpu.memref_slice %arg4[%dma_start3A_25] : memref<16384xi32, #tpu.memory_space<vmem>> -> memref<4096xi32, #tpu.memory_space<vmem>>
    %dma_start3A_27 = arith.constant 4096 : i32
    %dma_start3A_28 = tpu.memref_slice %arg6[%dma_start3A_27] : memref<16384xi32, #tpu.memory_space<vmem_shared>> -> memref<4096xi32, #tpu.memory_space<vmem_shared>>
    %dma_start3A_29 = arith.constant 4096 : i32
    %dma_start3A_30 = tpu.memref_slice %arg4[%dma_start3A_29] : memref<16384xi32, #tpu.memory_space<vmem>> -> memref<4096xi32, #tpu.memory_space<vmem>>
    %dma_start3A_31 = arith.constant 4096 : i32
    %dma_start3A_32 = tpu.memref_slice %arg6[%dma_start3A_31] : memref<16384xi32, #tpu.memory_space<vmem_shared>> -> memref<4096xi32, #tpu.memory_space<vmem_shared>>
    tpu.enqueue_dma source(%dma_start3A_32 : memref<4096xi32, #tpu.memory_space<vmem_shared>>) target(%dma_start3A_30 : memref<4096xi32, #tpu.memory_space<vmem>>) target_semaphore(%arg8 : memref<!tpu.dma_semaphore, #tpu.memory_space<semaphore_mem>>)
    %dma_start3A_33 = arith.constant 8192 : i32
    %dma_start3A_34 = tpu.memref_slice %arg4[%dma_start3A_33] : memref<16384xi32, #tpu.memory_space<vmem>> -> memref<4096xi32, #tpu.memory_space<vmem>>
    %dma_start3A_35 = arith.constant 8192 : i32
    %dma_start3A_36 = tpu.memref_slice %arg6[%dma_start3A_35] : memref<16384xi32, #tpu.memory_space<vmem_shared>> -> memref<4096xi32, #tpu.memory_space<vmem_shared>>
    %dma_start3A_37 = arith.constant 8192 : i32
    %dma_start3A_38 = tpu.memref_slice %arg4[%dma_start3A_37] : memref<16384xi32, #tpu.memory_space<vmem>> -> memref<4096xi32, #tpu.memory_space<vmem>>
    %dma_start3A_39 = arith.constant 8192 : i32
    %dma_start3A_40 = tpu.memref_slice %arg6[%dma_start3A_39] : memref<16384xi32, #tpu.memory_space<vmem_shared>> -> memref<4096xi32, #tpu.memory_space<vmem_shared>>
    tpu.enqueue_dma source(%dma_start3A_40 : memref<4096xi32, #tpu.memory_space<vmem_shared>>) target(%dma_start3A_38 : memref<4096xi32, #tpu.memory_space<vmem>>) target_semaphore(%arg9 : memref<!tpu.dma_semaphore, #tpu.memory_space<semaphore_mem>>)
    %dma_start3A_41 = arith.constant 12288 : i32
    %dma_start3A_42 = tpu.memref_slice %arg4[%dma_start3A_41] : memref<16384xi32, #tpu.memory_space<vmem>> -> memref<4096xi32, #tpu.memory_space<vmem>>
    %dma_start3A_43 = arith.constant 12288 : i32
    %dma_start3A_44 = tpu.memref_slice %arg6[%dma_start3A_43] : memref<16384xi32, #tpu.memory_space<vmem_shared>> -> memref<4096xi32, #tpu.memory_space<vmem_shared>>
    %dma_start3A_45 = arith.constant 12288 : i32
    %dma_start3A_46 = tpu.memref_slice %arg4[%dma_start3A_45] : memref<16384xi32, #tpu.memory_space<vmem>> -> memref<4096xi32, #tpu.memory_space<vmem>>
    %dma_start3A_47 = arith.constant 12288 : i32
    %dma_start3A_48 = tpu.memref_slice %arg6[%dma_start3A_47] : memref<16384xi32, #tpu.memory_space<vmem_shared>> -> memref<4096xi32, #tpu.memory_space<vmem_shared>>
    tpu.enqueue_dma source(%dma_start3A_48 : memref<4096xi32, #tpu.memory_space<vmem_shared>>) target(%dma_start3A_46 : memref<4096xi32, #tpu.memory_space<vmem>>) target_semaphore(%arg10 : memref<!tpu.dma_semaphore, #tpu.memory_space<semaphore_mem>>)
    %iota3A = tpu.iota {dimensions = array<i32: 0>} : vector<16xi32>
    %add3A_49 = arith.constant 32768 : i32
    %add3A_50 = vector.broadcast %add3A_49 : i32 to vector<16xi32>
    %add3A_51 = arith.addi %iota3A, %add3A_50 : vector<16xi32>
    %bitcast3A = vector.bitcast %add3A_51 : vector<16xi32> to vector<16xi32>
    %mul3A_52 = arith.constant 32768 : i32
    %mul3A_53 = arith.muli %add3A, %mul3A_52 : i32
    %dma_wait3A = arith.constant 0 : i32
    %dma_wait3A_54 = tpu.memref_slice %arg4[%dma_wait3A] : memref<16384xi32, #tpu.memory_space<vmem>> -> memref<4096xi32, #tpu.memory_space<vmem>>
    %dma_wait3A_55 = arith.constant 0 : i32
    %dma_wait3A_56 = tpu.memref_slice %arg6[%dma_wait3A_55] : memref<16384xi32, #tpu.memory_space<vmem_shared>> -> memref<4096xi32, #tpu.memory_space<vmem_shared>>
    %dma_wait3A_57 = arith.constant 0 : i32
    %dma_wait3A_58 = tpu.memref_slice %arg4[%dma_wait3A_57] : memref<16384xi32, #tpu.memory_space<vmem>> -> memref<4096xi32, #tpu.memory_space<vmem>>
    %dma_wait3A_59 = arith.constant 0 : i32
    %dma_wait3A_60 = tpu.memref_slice %arg6[%dma_wait3A_59] : memref<16384xi32, #tpu.memory_space<vmem_shared>> -> memref<4096xi32, #tpu.memory_space<vmem_shared>>
    tpu.wait_dma2 semaphore(%arg7 : memref<!tpu.dma_semaphore, #tpu.memory_space<semaphore_mem>>) src(%dma_wait3A_60 : memref<4096xi32, #tpu.memory_space<vmem_shared>>) dst(%dma_wait3A_58 : memref<4096xi32, #tpu.memory_space<vmem>>)
    %scan3A = arith.constant 0 : i32
    %scan3A_61 = arith.constant 0 : i32
    %scan3A_62 = arith.constant 256 : i32
    %scan3A_63 = arith.addi %scan3A_61, %scan3A_62 : i32
    %scan3A_64 = arith.constant 4 : i32
    scf.for %scan3A_118 = %scan3A_61 to %scan3A_63 step %scan3A_64  : i32 {
      %mul3A_119 = arith.constant 16 : i32
      %mul3A_120 = arith.muli %scan3A_118, %mul3A_119 : i32
      %get3A = arith.index_cast %mul3A_120 : i32 to index
      %get3A_121 = tpu.vector_load %arg4[%get3A] {strides = array<i32>} : memref<16384xi32, #tpu.memory_space<vmem>>, vector<16xi32>,
      %sub3A = vector.broadcast %mul3A_53 : i32 to vector<16xi32>
      %sub3A_122 = arith.subi %get3A_121, %sub3A : vector<16xi32>
      %bitcast3A_123 = vector.bitcast %sub3A_122 : vector<16xi32> to vector<16xi32>
      %min3A = arith.minui %bitcast3A_123, %bitcast3A : vector<16xi32>
      %bitcast3A_124 = vector.bitcast %min3A : vector<16xi32> to vector<16xi32>
      %mul3A_125 = arith.constant 16 : i32
      %mul3A_126 = arith.muli %scan3A_118, %mul3A_125 : i32
      %add3A_127 = vector.broadcast %mul3A_126 : i32 to vector<16xi32>
      %add3A_128 = arith.addi %iota3A, %add3A_127 : vector<16xi32>
      tpu.vector_store_idx %arg5[%bitcast3A_124], %add3A_128 : memref<32784xi32, #tpu.memory_space<vmem>>[vector<16xi32>], vector<16xi32>,
      %scan3A_129 = arith.constant 1 : i32
      %scan3A_130 = arith.addi %scan3A_118, %scan3A_129 : i32
      %mul3A_131 = arith.constant 16 : i32
      %mul3A_132 = arith.muli %scan3A_130, %mul3A_131 : i32
      %get3A_133 = arith.index_cast %mul3A_132 : i32 to index
      %get3A_134 = tpu.vector_load %arg4[%get3A_133] {strides = array<i32>} : memref<16384xi32, #tpu.memory_space<vmem>>, vector<16xi32>,
      %sub3A_135 = vector.broadcast %mul3A_53 : i32 to vector<16xi32>
      %sub3A_136 = arith.subi %get3A_134, %sub3A_135 : vector<16xi32>
      %bitcast3A_137 = vector.bitcast %sub3A_136 : vector<16xi32> to vector<16xi32>
      %min3A_138 = arith.minui %bitcast3A_137, %bitcast3A : vector<16xi32>
      %bitcast3A_139 = vector.bitcast %min3A_138 : vector<16xi32> to vector<16xi32>
      %mul3A_140 = arith.constant 16 : i32
      %mul3A_141 = arith.muli %scan3A_130, %mul3A_140 : i32
      %add3A_142 = vector.broadcast %mul3A_141 : i32 to vector<16xi32>
      %add3A_143 = arith.addi %iota3A, %add3A_142 : vector<16xi32>
      tpu.vector_store_idx %arg5[%bitcast3A_139], %add3A_143 : memref<32784xi32, #tpu.memory_space<vmem>>[vector<16xi32>], vector<16xi32>,
      %scan3A_144 = arith.constant 2 : i32
      %scan3A_145 = arith.addi %scan3A_118, %scan3A_144 : i32
      %mul3A_146 = arith.constant 16 : i32
      %mul3A_147 = arith.muli %scan3A_145, %mul3A_146 : i32
      %get3A_148 = arith.index_cast %mul3A_147 : i32 to index
      %get3A_149 = tpu.vector_load %arg4[%get3A_148] {strides = array<i32>} : memref<16384xi32, #tpu.memory_space<vmem>>, vector<16xi32>,
      %sub3A_150 = vector.broadcast %mul3A_53 : i32 to vector<16xi32>
      %sub3A_151 = arith.subi %get3A_149, %sub3A_150 : vector<16xi32>
      %bitcast3A_152 = vector.bitcast %sub3A_151 : vector<16xi32> to vector<16xi32>
      %min3A_153 = arith.minui %bitcast3A_152, %bitcast3A : vector<16xi32>
      %bitcast3A_154 = vector.bitcast %min3A_153 : vector<16xi32> to vector<16xi32>
      %mul3A_155 = arith.constant 16 : i32
      %mul3A_156 = arith.muli %scan3A_145, %mul3A_155 : i32
      %add3A_157 = vector.broadcast %mul3A_156 : i32 to vector<16xi32>
      %add3A_158 = arith.addi %iota3A, %add3A_157 : vector<16xi32>
      tpu.vector_store_idx %arg5[%bitcast3A_154], %add3A_158 : memref<32784xi32, #tpu.memory_space<vmem>>[vector<16xi32>], vector<16xi32>,
      %scan3A_159 = arith.constant 3 : i32
      %scan3A_160 = arith.addi %scan3A_118, %scan3A_159 : i32
      %mul3A_161 = arith.constant 16 : i32
      %mul3A_162 = arith.muli %scan3A_160, %mul3A_161 : i32
      %get3A_163 = arith.index_cast %mul3A_162 : i32 to index
      %get3A_164 = tpu.vector_load %arg4[%get3A_163] {strides = array<i32>} : memref<16384xi32, #tpu.memory_space<vmem>>, vector<16xi32>,
      %sub3A_165 = vector.broadcast %mul3A_53 : i32 to vector<16xi32>
      %sub3A_166 = arith.subi %get3A_164, %sub3A_165 : vector<16xi32>
      %bitcast3A_167 = vector.bitcast %sub3A_166 : vector<16xi32> to vector<16xi32>
      %min3A_168 = arith.minui %bitcast3A_167, %bitcast3A : vector<16xi32>
      %bitcast3A_169 = vector.bitcast %min3A_168 : vector<16xi32> to vector<16xi32>
      %mul3A_170 = arith.constant 16 : i32
      %mul3A_171 = arith.muli %scan3A_160, %mul3A_170 : i32
      %add3A_172 = vector.broadcast %mul3A_171 : i32 to vector<16xi32>
      %add3A_173 = arith.addi %iota3A, %add3A_172 : vector<16xi32>
      tpu.vector_store_idx %arg5[%bitcast3A_169], %add3A_173 : memref<32784xi32, #tpu.memory_space<vmem>>[vector<16xi32>], vector<16xi32>,
    }
    %scan3A_65 = arith.constant 256 : i32
    %dma_wait3A_66 = arith.constant 4096 : i32
    %dma_wait3A_67 = tpu.memref_slice %arg4[%dma_wait3A_66] : memref<16384xi32, #tpu.memory_space<vmem>> -> memref<4096xi32, #tpu.memory_space<vmem>>
    %dma_wait3A_68 = arith.constant 4096 : i32
    %dma_wait3A_69 = tpu.memref_slice %arg6[%dma_wait3A_68] : memref<16384xi32, #tpu.memory_space<vmem_shared>> -> memref<4096xi32, #tpu.memory_space<vmem_shared>>
    %dma_wait3A_70 = arith.constant 4096 : i32
    %dma_wait3A_71 = tpu.memref_slice %arg4[%dma_wait3A_70] : memref<16384xi32, #tpu.memory_space<vmem>> -> memref<4096xi32, #tpu.memory_space<vmem>>
    %dma_wait3A_72 = arith.constant 4096 : i32
    %dma_wait3A_73 = tpu.memref_slice %arg6[%dma_wait3A_72] : memref<16384xi32, #tpu.memory_space<vmem_shared>> -> memref<4096xi32, #tpu.memory_space<vmem_shared>>
    tpu.wait_dma2 semaphore(%arg8 : memref<!tpu.dma_semaphore, #tpu.memory_space<semaphore_mem>>) src(%dma_wait3A_73 : memref<4096xi32, #tpu.memory_space<vmem_shared>>) dst(%dma_wait3A_71 : memref<4096xi32, #tpu.memory_space<vmem>>)
    %scan3A_74 = arith.constant 0 : i32
    %scan3A_75 = arith.constant 256 : i32
    %scan3A_76 = arith.constant 256 : i32
    %scan3A_77 = arith.addi %scan3A_75, %scan3A_76 : i32
    %scan3A_78 = arith.constant 4 : i32
    scf.for %scan3A_118 = %scan3A_75 to %scan3A_77 step %scan3A_78  : i32 {
      %mul3A_119 = arith.constant 16 : i32
      %mul3A_120 = arith.muli %scan3A_118, %mul3A_119 : i32
      %get3A = arith.index_cast %mul3A_120 : i32 to index
      %get3A_121 = tpu.vector_load %arg4[%get3A] {strides = array<i32>} : memref<16384xi32, #tpu.memory_space<vmem>>, vector<16xi32>,
      %sub3A = vector.broadcast %mul3A_53 : i32 to vector<16xi32>
      %sub3A_122 = arith.subi %get3A_121, %sub3A : vector<16xi32>
      %bitcast3A_123 = vector.bitcast %sub3A_122 : vector<16xi32> to vector<16xi32>
      %min3A = arith.minui %bitcast3A_123, %bitcast3A : vector<16xi32>
      %bitcast3A_124 = vector.bitcast %min3A : vector<16xi32> to vector<16xi32>
      %mul3A_125 = arith.constant 16 : i32
      %mul3A_126 = arith.muli %scan3A_118, %mul3A_125 : i32
      %add3A_127 = vector.broadcast %mul3A_126 : i32 to vector<16xi32>
      %add3A_128 = arith.addi %iota3A, %add3A_127 : vector<16xi32>
      tpu.vector_store_idx %arg5[%bitcast3A_124], %add3A_128 : memref<32784xi32, #tpu.memory_space<vmem>>[vector<16xi32>], vector<16xi32>,
      %scan3A_129 = arith.constant 1 : i32
      %scan3A_130 = arith.addi %scan3A_118, %scan3A_129 : i32
      %mul3A_131 = arith.constant 16 : i32
      %mul3A_132 = arith.muli %scan3A_130, %mul3A_131 : i32
      %get3A_133 = arith.index_cast %mul3A_132 : i32 to index
      %get3A_134 = tpu.vector_load %arg4[%get3A_133] {strides = array<i32>} : memref<16384xi32, #tpu.memory_space<vmem>>, vector<16xi32>,
      %sub3A_135 = vector.broadcast %mul3A_53 : i32 to vector<16xi32>
      %sub3A_136 = arith.subi %get3A_134, %sub3A_135 : vector<16xi32>
      %bitcast3A_137 = vector.bitcast %sub3A_136 : vector<16xi32> to vector<16xi32>
      %min3A_138 = arith.minui %bitcast3A_137, %bitcast3A : vector<16xi32>
      %bitcast3A_139 = vector.bitcast %min3A_138 : vector<16xi32> to vector<16xi32>
      %mul3A_140 = arith.constant 16 : i32
      %mul3A_141 = arith.muli %scan3A_130, %mul3A_140 : i32
      %add3A_142 = vector.broadcast %mul3A_141 : i32 to vector<16xi32>
      %add3A_143 = arith.addi %iota3A, %add3A_142 : vector<16xi32>
      tpu.vector_store_idx %arg5[%bitcast3A_139], %add3A_143 : memref<32784xi32, #tpu.memory_space<vmem>>[vector<16xi32>], vector<16xi32>,
      %scan3A_144 = arith.constant 2 : i32
      %scan3A_145 = arith.addi %scan3A_118, %scan3A_144 : i32
      %mul3A_146 = arith.constant 16 : i32
      %mul3A_147 = arith.muli %scan3A_145, %mul3A_146 : i32
      %get3A_148 = arith.index_cast %mul3A_147 : i32 to index
      %get3A_149 = tpu.vector_load %arg4[%get3A_148] {strides = array<i32>} : memref<16384xi32, #tpu.memory_space<vmem>>, vector<16xi32>,
      %sub3A_150 = vector.broadcast %mul3A_53 : i32 to vector<16xi32>
      %sub3A_151 = arith.subi %get3A_149, %sub3A_150 : vector<16xi32>
      %bitcast3A_152 = vector.bitcast %sub3A_151 : vector<16xi32> to vector<16xi32>
      %min3A_153 = arith.minui %bitcast3A_152, %bitcast3A : vector<16xi32>
      %bitcast3A_154 = vector.bitcast %min3A_153 : vector<16xi32> to vector<16xi32>
      %mul3A_155 = arith.constant 16 : i32
      %mul3A_156 = arith.muli %scan3A_145, %mul3A_155 : i32
      %add3A_157 = vector.broadcast %mul3A_156 : i32 to vector<16xi32>
      %add3A_158 = arith.addi %iota3A, %add3A_157 : vector<16xi32>
      tpu.vector_store_idx %arg5[%bitcast3A_154], %add3A_158 : memref<32784xi32, #tpu.memory_space<vmem>>[vector<16xi32>], vector<16xi32>,
      %scan3A_159 = arith.constant 3 : i32
      %scan3A_160 = arith.addi %scan3A_118, %scan3A_159 : i32
      %mul3A_161 = arith.constant 16 : i32
      %mul3A_162 = arith.muli %scan3A_160, %mul3A_161 : i32
      %get3A_163 = arith.index_cast %mul3A_162 : i32 to index
      %get3A_164 = tpu.vector_load %arg4[%get3A_163] {strides = array<i32>} : memref<16384xi32, #tpu.memory_space<vmem>>, vector<16xi32>,
      %sub3A_165 = vector.broadcast %mul3A_53 : i32 to vector<16xi32>
      %sub3A_166 = arith.subi %get3A_164, %sub3A_165 : vector<16xi32>
      %bitcast3A_167 = vector.bitcast %sub3A_166 : vector<16xi32> to vector<16xi32>
      %min3A_168 = arith.minui %bitcast3A_167, %bitcast3A : vector<16xi32>
      %bitcast3A_169 = vector.bitcast %min3A_168 : vector<16xi32> to vector<16xi32>
      %mul3A_170 = arith.constant 16 : i32
      %mul3A_171 = arith.muli %scan3A_160, %mul3A_170 : i32
      %add3A_172 = vector.broadcast %mul3A_171 : i32 to vector<16xi32>
      %add3A_173 = arith.addi %iota3A, %add3A_172 : vector<16xi32>
      tpu.vector_store_idx %arg5[%bitcast3A_169], %add3A_173 : memref<32784xi32, #tpu.memory_space<vmem>>[vector<16xi32>], vector<16xi32>,
    }
    %scan3A_79 = arith.constant 256 : i32
    %dma_wait3A_80 = arith.constant 8192 : i32
    %dma_wait3A_81 = tpu.memref_slice %arg4[%dma_wait3A_80] : memref<16384xi32, #tpu.memory_space<vmem>> -> memref<4096xi32, #tpu.memory_space<vmem>>
    %dma_wait3A_82 = arith.constant 8192 : i32
    %dma_wait3A_83 = tpu.memref_slice %arg6[%dma_wait3A_82] : memref<16384xi32, #tpu.memory_space<vmem_shared>> -> memref<4096xi32, #tpu.memory_space<vmem_shared>>
    %dma_wait3A_84 = arith.constant 8192 : i32
    %dma_wait3A_85 = tpu.memref_slice %arg4[%dma_wait3A_84] : memref<16384xi32, #tpu.memory_space<vmem>> -> memref<4096xi32, #tpu.memory_space<vmem>>
    %dma_wait3A_86 = arith.constant 8192 : i32
    %dma_wait3A_87 = tpu.memref_slice %arg6[%dma_wait3A_86] : memref<16384xi32, #tpu.memory_space<vmem_shared>> -> memref<4096xi32, #tpu.memory_space<vmem_shared>>
    tpu.wait_dma2 semaphore(%arg9 : memref<!tpu.dma_semaphore, #tpu.memory_space<semaphore_mem>>) src(%dma_wait3A_87 : memref<4096xi32, #tpu.memory_space<vmem_shared>>) dst(%dma_wait3A_85 : memref<4096xi32, #tpu.memory_space<vmem>>)
    %scan3A_88 = arith.constant 0 : i32
    %scan3A_89 = arith.constant 512 : i32
    %scan3A_90 = arith.constant 256 : i32
    %scan3A_91 = arith.addi %scan3A_89, %scan3A_90 : i32
    %scan3A_92 = arith.constant 4 : i32
    scf.for %scan3A_118 = %scan3A_89 to %scan3A_91 step %scan3A_92  : i32 {
      %mul3A_119 = arith.constant 16 : i32
      %mul3A_120 = arith.muli %scan3A_118, %mul3A_119 : i32
      %get3A = arith.index_cast %mul3A_120 : i32 to index
      %get3A_121 = tpu.vector_load %arg4[%get3A] {strides = array<i32>} : memref<16384xi32, #tpu.memory_space<vmem>>, vector<16xi32>,
      %sub3A = vector.broadcast %mul3A_53 : i32 to vector<16xi32>
      %sub3A_122 = arith.subi %get3A_121, %sub3A : vector<16xi32>
      %bitcast3A_123 = vector.bitcast %sub3A_122 : vector<16xi32> to vector<16xi32>
      %min3A = arith.minui %bitcast3A_123, %bitcast3A : vector<16xi32>
      %bitcast3A_124 = vector.bitcast %min3A : vector<16xi32> to vector<16xi32>
      %mul3A_125 = arith.constant 16 : i32
      %mul3A_126 = arith.muli %scan3A_118, %mul3A_125 : i32
      %add3A_127 = vector.broadcast %mul3A_126 : i32 to vector<16xi32>
      %add3A_128 = arith.addi %iota3A, %add3A_127 : vector<16xi32>
      tpu.vector_store_idx %arg5[%bitcast3A_124], %add3A_128 : memref<32784xi32, #tpu.memory_space<vmem>>[vector<16xi32>], vector<16xi32>,
      %scan3A_129 = arith.constant 1 : i32
      %scan3A_130 = arith.addi %scan3A_118, %scan3A_129 : i32
      %mul3A_131 = arith.constant 16 : i32
      %mul3A_132 = arith.muli %scan3A_130, %mul3A_131 : i32
      %get3A_133 = arith.index_cast %mul3A_132 : i32 to index
      %get3A_134 = tpu.vector_load %arg4[%get3A_133] {strides = array<i32>} : memref<16384xi32, #tpu.memory_space<vmem>>, vector<16xi32>,
      %sub3A_135 = vector.broadcast %mul3A_53 : i32 to vector<16xi32>
      %sub3A_136 = arith.subi %get3A_134, %sub3A_135 : vector<16xi32>
      %bitcast3A_137 = vector.bitcast %sub3A_136 : vector<16xi32> to vector<16xi32>
      %min3A_138 = arith.minui %bitcast3A_137, %bitcast3A : vector<16xi32>
      %bitcast3A_139 = vector.bitcast %min3A_138 : vector<16xi32> to vector<16xi32>
      %mul3A_140 = arith.constant 16 : i32
      %mul3A_141 = arith.muli %scan3A_130, %mul3A_140 : i32
      %add3A_142 = vector.broadcast %mul3A_141 : i32 to vector<16xi32>
      %add3A_143 = arith.addi %iota3A, %add3A_142 : vector<16xi32>
      tpu.vector_store_idx %arg5[%bitcast3A_139], %add3A_143 : memref<32784xi32, #tpu.memory_space<vmem>>[vector<16xi32>], vector<16xi32>,
      %scan3A_144 = arith.constant 2 : i32
      %scan3A_145 = arith.addi %scan3A_118, %scan3A_144 : i32
      %mul3A_146 = arith.constant 16 : i32
      %mul3A_147 = arith.muli %scan3A_145, %mul3A_146 : i32
      %get3A_148 = arith.index_cast %mul3A_147 : i32 to index
      %get3A_149 = tpu.vector_load %arg4[%get3A_148] {strides = array<i32>} : memref<16384xi32, #tpu.memory_space<vmem>>, vector<16xi32>,
      %sub3A_150 = vector.broadcast %mul3A_53 : i32 to vector<16xi32>
      %sub3A_151 = arith.subi %get3A_149, %sub3A_150 : vector<16xi32>
      %bitcast3A_152 = vector.bitcast %sub3A_151 : vector<16xi32> to vector<16xi32>
      %min3A_153 = arith.minui %bitcast3A_152, %bitcast3A : vector<16xi32>
      %bitcast3A_154 = vector.bitcast %min3A_153 : vector<16xi32> to vector<16xi32>
      %mul3A_155 = arith.constant 16 : i32
      %mul3A_156 = arith.muli %scan3A_145, %mul3A_155 : i32
      %add3A_157 = vector.broadcast %mul3A_156 : i32 to vector<16xi32>
      %add3A_158 = arith.addi %iota3A, %add3A_157 : vector<16xi32>
      tpu.vector_store_idx %arg5[%bitcast3A_154], %add3A_158 : memref<32784xi32, #tpu.memory_space<vmem>>[vector<16xi32>], vector<16xi32>,
      %scan3A_159 = arith.constant 3 : i32
      %scan3A_160 = arith.addi %scan3A_118, %scan3A_159 : i32
      %mul3A_161 = arith.constant 16 : i32
      %mul3A_162 = arith.muli %scan3A_160, %mul3A_161 : i32
      %get3A_163 = arith.index_cast %mul3A_162 : i32 to index
      %get3A_164 = tpu.vector_load %arg4[%get3A_163] {strides = array<i32>} : memref<16384xi32, #tpu.memory_space<vmem>>, vector<16xi32>,
      %sub3A_165 = vector.broadcast %mul3A_53 : i32 to vector<16xi32>
      %sub3A_166 = arith.subi %get3A_164, %sub3A_165 : vector<16xi32>
      %bitcast3A_167 = vector.bitcast %sub3A_166 : vector<16xi32> to vector<16xi32>
      %min3A_168 = arith.minui %bitcast3A_167, %bitcast3A : vector<16xi32>
      %bitcast3A_169 = vector.bitcast %min3A_168 : vector<16xi32> to vector<16xi32>
      %mul3A_170 = arith.constant 16 : i32
      %mul3A_171 = arith.muli %scan3A_160, %mul3A_170 : i32
      %add3A_172 = vector.broadcast %mul3A_171 : i32 to vector<16xi32>
      %add3A_173 = arith.addi %iota3A, %add3A_172 : vector<16xi32>
      tpu.vector_store_idx %arg5[%bitcast3A_169], %add3A_173 : memref<32784xi32, #tpu.memory_space<vmem>>[vector<16xi32>], vector<16xi32>,
    }
    %scan3A_93 = arith.constant 256 : i32
    %dma_wait3A_94 = arith.constant 12288 : i32
    %dma_wait3A_95 = tpu.memref_slice %arg4[%dma_wait3A_94] : memref<16384xi32, #tpu.memory_space<vmem>> -> memref<4096xi32, #tpu.memory_space<vmem>>
    %dma_wait3A_96 = arith.constant 12288 : i32
    %dma_wait3A_97 = tpu.memref_slice %arg6[%dma_wait3A_96] : memref<16384xi32, #tpu.memory_space<vmem_shared>> -> memref<4096xi32, #tpu.memory_space<vmem_shared>>
    %dma_wait3A_98 = arith.constant 12288 : i32
    %dma_wait3A_99 = tpu.memref_slice %arg4[%dma_wait3A_98] : memref<16384xi32, #tpu.memory_space<vmem>> -> memref<4096xi32, #tpu.memory_space<vmem>>
    %dma_wait3A_100 = arith.constant 12288 : i32
    %dma_wait3A_101 = tpu.memref_slice %arg6[%dma_wait3A_100] : memref<16384xi32, #tpu.memory_space<vmem_shared>> -> memref<4096xi32, #tpu.memory_space<vmem_shared>>
    tpu.wait_dma2 semaphore(%arg10 : memref<!tpu.dma_semaphore, #tpu.memory_space<semaphore_mem>>) src(%dma_wait3A_101 : memref<4096xi32, #tpu.memory_space<vmem_shared>>) dst(%dma_wait3A_99 : memref<4096xi32, #tpu.memory_space<vmem>>)
    %scan3A_102 = arith.constant 0 : i32
    %scan3A_103 = arith.constant 768 : i32
    %scan3A_104 = arith.constant 256 : i32
    %scan3A_105 = arith.addi %scan3A_103, %scan3A_104 : i32
    %scan3A_106 = arith.constant 4 : i32
    scf.for %scan3A_118 = %scan3A_103 to %scan3A_105 step %scan3A_106  : i32 {
      %mul3A_119 = arith.constant 16 : i32
      %mul3A_120 = arith.muli %scan3A_118, %mul3A_119 : i32
      %get3A = arith.index_cast %mul3A_120 : i32 to index
      %get3A_121 = tpu.vector_load %arg4[%get3A] {strides = array<i32>} : memref<16384xi32, #tpu.memory_space<vmem>>, vector<16xi32>,
      %sub3A = vector.broadcast %mul3A_53 : i32 to vector<16xi32>
      %sub3A_122 = arith.subi %get3A_121, %sub3A : vector<16xi32>
      %bitcast3A_123 = vector.bitcast %sub3A_122 : vector<16xi32> to vector<16xi32>
      %min3A = arith.minui %bitcast3A_123, %bitcast3A : vector<16xi32>
      %bitcast3A_124 = vector.bitcast %min3A : vector<16xi32> to vector<16xi32>
      %mul3A_125 = arith.constant 16 : i32
      %mul3A_126 = arith.muli %scan3A_118, %mul3A_125 : i32
      %add3A_127 = vector.broadcast %mul3A_126 : i32 to vector<16xi32>
      %add3A_128 = arith.addi %iota3A, %add3A_127 : vector<16xi32>
      tpu.vector_store_idx %arg5[%bitcast3A_124], %add3A_128 : memref<32784xi32, #tpu.memory_space<vmem>>[vector<16xi32>], vector<16xi32>,
      %scan3A_129 = arith.constant 1 : i32
      %scan3A_130 = arith.addi %scan3A_118, %scan3A_129 : i32
      %mul3A_131 = arith.constant 16 : i32
      %mul3A_132 = arith.muli %scan3A_130, %mul3A_131 : i32
      %get3A_133 = arith.index_cast %mul3A_132 : i32 to index
      %get3A_134 = tpu.vector_load %arg4[%get3A_133] {strides = array<i32>} : memref<16384xi32, #tpu.memory_space<vmem>>, vector<16xi32>,
      %sub3A_135 = vector.broadcast %mul3A_53 : i32 to vector<16xi32>
      %sub3A_136 = arith.subi %get3A_134, %sub3A_135 : vector<16xi32>
      %bitcast3A_137 = vector.bitcast %sub3A_136 : vector<16xi32> to vector<16xi32>
      %min3A_138 = arith.minui %bitcast3A_137, %bitcast3A : vector<16xi32>
      %bitcast3A_139 = vector.bitcast %min3A_138 : vector<16xi32> to vector<16xi32>
      %mul3A_140 = arith.constant 16 : i32
      %mul3A_141 = arith.muli %scan3A_130, %mul3A_140 : i32
      %add3A_142 = vector.broadcast %mul3A_141 : i32 to vector<16xi32>
      %add3A_143 = arith.addi %iota3A, %add3A_142 : vector<16xi32>
      tpu.vector_store_idx %arg5[%bitcast3A_139], %add3A_143 : memref<32784xi32, #tpu.memory_space<vmem>>[vector<16xi32>], vector<16xi32>,
      %scan3A_144 = arith.constant 2 : i32
      %scan3A_145 = arith.addi %scan3A_118, %scan3A_144 : i32
      %mul3A_146 = arith.constant 16 : i32
      %mul3A_147 = arith.muli %scan3A_145, %mul3A_146 : i32
      %get3A_148 = arith.index_cast %mul3A_147 : i32 to index
      %get3A_149 = tpu.vector_load %arg4[%get3A_148] {strides = array<i32>} : memref<16384xi32, #tpu.memory_space<vmem>>, vector<16xi32>,
      %sub3A_150 = vector.broadcast %mul3A_53 : i32 to vector<16xi32>
      %sub3A_151 = arith.subi %get3A_149, %sub3A_150 : vector<16xi32>
      %bitcast3A_152 = vector.bitcast %sub3A_151 : vector<16xi32> to vector<16xi32>
      %min3A_153 = arith.minui %bitcast3A_152, %bitcast3A : vector<16xi32>
      %bitcast3A_154 = vector.bitcast %min3A_153 : vector<16xi32> to vector<16xi32>
      %mul3A_155 = arith.constant 16 : i32
      %mul3A_156 = arith.muli %scan3A_145, %mul3A_155 : i32
      %add3A_157 = vector.broadcast %mul3A_156 : i32 to vector<16xi32>
      %add3A_158 = arith.addi %iota3A, %add3A_157 : vector<16xi32>
      tpu.vector_store_idx %arg5[%bitcast3A_154], %add3A_158 : memref<32784xi32, #tpu.memory_space<vmem>>[vector<16xi32>], vector<16xi32>,
      %scan3A_159 = arith.constant 3 : i32
      %scan3A_160 = arith.addi %scan3A_118, %scan3A_159 : i32
      %mul3A_161 = arith.constant 16 : i32
      %mul3A_162 = arith.muli %scan3A_160, %mul3A_161 : i32
      %get3A_163 = arith.index_cast %mul3A_162 : i32 to index
      %get3A_164 = tpu.vector_load %arg4[%get3A_163] {strides = array<i32>} : memref<16384xi32, #tpu.memory_space<vmem>>, vector<16xi32>,
      %sub3A_165 = vector.broadcast %mul3A_53 : i32 to vector<16xi32>
      %sub3A_166 = arith.subi %get3A_164, %sub3A_165 : vector<16xi32>
      %bitcast3A_167 = vector.bitcast %sub3A_166 : vector<16xi32> to vector<16xi32>
      %min3A_168 = arith.minui %bitcast3A_167, %bitcast3A : vector<16xi32>
      %bitcast3A_169 = vector.bitcast %min3A_168 : vector<16xi32> to vector<16xi32>
      %mul3A_170 = arith.constant 16 : i32
      %mul3A_171 = arith.muli %scan3A_160, %mul3A_170 : i32
      %add3A_172 = vector.broadcast %mul3A_171 : i32 to vector<16xi32>
      %add3A_173 = arith.addi %iota3A, %add3A_172 : vector<16xi32>
      tpu.vector_store_idx %arg5[%bitcast3A_169], %add3A_173 : memref<32784xi32, #tpu.memory_space<vmem>>[vector<16xi32>], vector<16xi32>,
    }
    %scan3A_107 = arith.constant 256 : i32
    %lt3A_108 = arith.constant 30 : i32
    %lt3A_109 = arith.cmpi slt, %add3A, %lt3A_108 : i32
    %convert_element_type3A_110 = arith.extui %lt3A_109 : i1 to i32
    %cond3A_111 = arith.constant 0 : i32
    %cond3A_112 = arith.cmpi ne, %convert_element_type3A_110, %cond3A_111 : i32
    scf.if %cond3A_112 {
      %mul3A_118 = arith.constant 32768 : i32
      %mul3A_119 = arith.muli %add3A, %mul3A_118 : i32
      "tpu.region"() ({
        %run_scoped3A = tpu.sem_alloc : memref<!tpu.dma_semaphore, #tpu.memory_space<semaphore_mem>>
        %dma_start3A_120 = arith.constant 0 : i32
        %dma_start3A_121 = tpu.memref_slice %arg5[%dma_start3A_120] : memref<32784xi32, #tpu.memory_space<vmem>> -> memref<32768xi32, #tpu.memory_space<vmem>>
        %dma_start3A_122 = tpu.memref_slice %arg3[%mul3A_119] : memref<1000000xi32, #tpu.memory_space<hbm>> -> memref<32768xi32, #tpu.memory_space<hbm>>
        %dma_start3A_123 = tpu.memref_slice %arg3[%mul3A_119] : memref<1000000xi32, #tpu.memory_space<hbm>> -> memref<32768xi32, #tpu.memory_space<hbm>>
        %dma_start3A_124 = arith.constant 0 : i32
        %dma_start3A_125 = tpu.memref_slice %arg5[%dma_start3A_124] : memref<32784xi32, #tpu.memory_space<vmem>> -> memref<32768xi32, #tpu.memory_space<vmem>>
        tpu.enqueue_dma source(%dma_start3A_125 : memref<32768xi32, #tpu.memory_space<vmem>>) target(%dma_start3A_123 : memref<32768xi32, #tpu.memory_space<hbm>>) target_semaphore(%run_scoped3A : memref<!tpu.dma_semaphore, #tpu.memory_space<semaphore_mem>>)
        %dma_wait3A_126 = arith.constant 0 : i32
        %dma_wait3A_127 = tpu.memref_slice %arg5[%dma_wait3A_126] : memref<32784xi32, #tpu.memory_space<vmem>> -> memref<32768xi32, #tpu.memory_space<vmem>>
        %dma_wait3A_128 = tpu.memref_slice %arg3[%mul3A_119] : memref<1000000xi32, #tpu.memory_space<hbm>> -> memref<32768xi32, #tpu.memory_space<hbm>>
        %dma_wait3A_129 = tpu.memref_slice %arg3[%mul3A_119] : memref<1000000xi32, #tpu.memory_space<hbm>> -> memref<32768xi32, #tpu.memory_space<hbm>>
        %dma_wait3A_130 = arith.constant 0 : i32
        %dma_wait3A_131 = tpu.memref_slice %arg5[%dma_wait3A_130] : memref<32784xi32, #tpu.memory_space<vmem>> -> memref<32768xi32, #tpu.memory_space<vmem>>
        tpu.wait_dma2 semaphore(%run_scoped3A : memref<!tpu.dma_semaphore, #tpu.memory_space<semaphore_mem>>) src(%dma_wait3A_131 : memref<32768xi32, #tpu.memory_space<vmem>>) dst(%dma_wait3A_129 : memref<32768xi32, #tpu.memory_space<hbm>>)
        tpu.yield
      }) : () -> ()
    } else {
    }
    %eq3A_113 = arith.constant 30 : i32
    %eq3A_114 = arith.cmpi eq, %add3A, %eq3A_113 : i32
    %convert_element_type3A_115 = arith.extui %eq3A_114 : i1 to i32
    %cond3A_116 = arith.constant 0 : i32
    %cond3A_117 = arith.cmpi ne, %convert_element_type3A_115, %cond3A_116 : i32
    scf.if %cond3A_117 {
      "tpu.region"() ({
        %run_scoped3A = tpu.sem_alloc : memref<!tpu.dma_semaphore, #tpu.memory_space<semaphore_mem>>
        %dma_start3A_118 = arith.constant 0 : i32
        %dma_start3A_119 = tpu.memref_slice %arg5[%dma_start3A_118] : memref<32784xi32, #tpu.memory_space<vmem>> -> memref<16960xi32, #tpu.memory_space<vmem>>
        %dma_start3A_120 = arith.constant 983040 : i32
        %dma_start3A_121 = tpu.memref_slice %arg3[%dma_start3A_120] : memref<1000000xi32, #tpu.memory_space<hbm>> -> memref<16960xi32, #tpu.memory_space<hbm>>
        %dma_start3A_122 = arith.constant 983040 : i32
        %dma_start3A_123 = tpu.memref_slice %arg3[%dma_start3A_122] : memref<1000000xi32, #tpu.memory_space<hbm>> -> memref<16960xi32, #tpu.memory_space<hbm>>
        %dma_start3A_124 = arith.constant 0 : i32
        %dma_start3A_125 = tpu.memref_slice %arg5[%dma_start3A_124] : memref<32784xi32, #tpu.memory_space<vmem>> -> memref<16960xi32, #tpu.memory_space<vmem>>
        tpu.enqueue_dma source(%dma_start3A_125 : memref<16960xi32, #tpu.memory_space<vmem>>) target(%dma_start3A_123 : memref<16960xi32, #tpu.memory_space<hbm>>) target_semaphore(%run_scoped3A : memref<!tpu.dma_semaphore, #tpu.memory_space<semaphore_mem>>)
        %dma_wait3A_126 = arith.constant 0 : i32
        %dma_wait3A_127 = tpu.memref_slice %arg5[%dma_wait3A_126] : memref<32784xi32, #tpu.memory_space<vmem>> -> memref<16960xi32, #tpu.memory_space<vmem>>
        %dma_wait3A_128 = arith.constant 983040 : i32
        %dma_wait3A_129 = tpu.memref_slice %arg3[%dma_wait3A_128] : memref<1000000xi32, #tpu.memory_space<hbm>> -> memref<16960xi32, #tpu.memory_space<hbm>>
        %dma_wait3A_130 = arith.constant 983040 : i32
        %dma_wait3A_131 = tpu.memref_slice %arg3[%dma_wait3A_130] : memref<1000000xi32, #tpu.memory_space<hbm>> -> memref<16960xi32, #tpu.memory_space<hbm>>
        %dma_wait3A_132 = arith.constant 0 : i32
        %dma_wait3A_133 = tpu.memref_slice %arg5[%dma_wait3A_132] : memref<32784xi32, #tpu.memory_space<vmem>> -> memref<16960xi32, #tpu.memory_space<vmem>>
        tpu.wait_dma2 semaphore(%run_scoped3A : memref<!tpu.dma_semaphore, #tpu.memory_space<semaphore_mem>>) src(%dma_wait3A_133 : memref<16960xi32, #tpu.memory_space<vmem>>) dst(%dma_wait3A_131 : memref<16960xi32, #tpu.memory_space<hbm>>)
        tpu.yield
      }) : () -> ()
    } else {
    }
    return
  }
}

</mosaic_0001>

<sc_bundles>
// kernel: kernel.3.cloned.1.call-start
scs
__scs_entry_jumppad:
0x0: {  	(pc) =	sbr.rel $0x88, $3  }
0x1: {  	(tag) =	ssettag $0x0;
	lr =	simm.s32 $0x1  }
0x2: {  	[smem:$0x3FA0] =	sst lr;
	_ =	strace $0xD0000000  }
0x3: {  	_ = 	snop  }
0x4: {  	_ = 	snop  }
0x5: {  	_ = 	snop  }
0x6: {  	_ = 	snop  }
0x7: {  	_ = 	snop  }
__scs_overlays_trampoline_lowered:
0x8: {  	[smem:$0x3FAF] =	sst s0  }
0x9: {  	[smem:$0x3FB0] =	sst s1  }
0xa: {  	[smem:$0x3FB1] =	sst s2  }
0xb: {  	[smem:$0x3FB2] =	sst s3  }
0xc: {  	[smem:$0x3FB3] =	sst s4  }
0xd: {  	[smem:$0x3FB4] =	sst s5  }
0xe: {  	[smem:$0x3FB5] =	sst s6  }
0xf: {  	[smem:$0x3FB6] =	sst s7  }
0x10: {  	[smem:$0x3FB7] =	sst s8  }
0x11: {  	[smem:$0x3FB8] =	sst s9;
	s0 =	simm.s32 @!p0 $0x0  }
0x12: {  	s1 =	sld [smem:$0x3F9E];
	s0 =	simm.s32 @p0 $0x1  }
0x13: {  	[smem:$0x3FB9] =	sst s0;
	s0 =	simm.s32 @!p1 $0x0  }
0x14: {  	s2 =	sld [smem:$0x3F9D];
	s0 =	simm.s32 @p1 $0x1  }
0x15: {  	[smem:$0x3FBA] =	sst s0;
	s0 =	simm.s32 @!p2 $0x0  }
0x16: {  	s3 =	sld [smem:$0x3FDB];
	s0 =	simm.s32 @p2 $0x1  }
0x17: {  	s4 =	simm.s32 $0x1BF5;
	[smem:$0x3FBC] =	sst s0  }
0x18: {  	s0 =	sld [smem:$0x3F9F];
	_ =	swait.ge [sflag:s4], $0x0  }
0x19: {  	s7 =	sld [smem:$0x3FA0]  }
0x1a: {  	s8 =	sadd.s32 $0xFFFFE003, lr  }
0x1b: {  	s9 =	sadd.s32 $0xFFFFFEF7, lr;
	s5 =	simm.s32 $0xFFFFFFFF;
	p2 =	slt.u32 s8, $0xFFFFF086  }
0x1c: {  	p1 =	slt.u32 s9, $0xF7A;
	s5 =	simm.s32 @!p2 $0x0  }
0x1d: {  	s5 =	simm.s32 @p1 $0x1;
	p0 =	seq.s32 s7, s2  }
0x1e: {  	s7 =	smul.u32 @!p0 $0xF7A, s2;
	p2 =	seq.s32 @!p0 s5, $0x0  }
0x1f: {  	s9 =	smul.u32 $0xF7A, s1;
	s8 =	simm.s32 @!p0 $0x1BF5;
	p2 =	por !p2, p0  }
0x20: {  	[sflag:s8] =	ssyncset.s32 @!p0 $0xFFFFF086;
	s6 =	sadd.s32 @!p0 s3, s7;
	s7 =	simm.s32 @!p0 $0x108  }
0x21: {  	s3 =	sadd.s32 s3, s9;
	s6 =	sadd.s32 @!p0 $0x88, s6;
	s7 =	simm.s32 @p2 $0x1082  }
0x22: {  	[simem:s7], [sflag:s8] =	dma.local @!p0 [hbm:s6], $0xF7A  }
0x23: {  	s9 =	sor.u32 $0xD0000000, s2;
	s6 =	simm.s32 $0x108;
	_ =	swait.ge @!p0 [sflag:s8], $0x0  }
0x24: {  	s3 =	sadd.s32 $0x88, s3;
	s6 =	simm.s32 @!p1 $0x1082;
	[sflag:s4] =	ssyncset.s32 $0xFFFFF086  }
0x25: {  	[simem:s6], [sflag:s4] =	dma.local [hbm:s3], $0xF7A  }
0x26: {  	[smem:$0x3FA0] =	sst s1;
	(tag) =	ssettag s2;
	_ =	strace s9  }
0x27: {  	s1 =	sld [smem:$0x3FB0]  }
0x28: {  	s2 =	sld [smem:$0x3FB1]  }
0x29: {  	s4 =	sld [smem:$0x3FB3]  }
0x2a: {  	p0 =	seq.s32 s5, $0x0;
	s5 =	sld [smem:$0x3FB4]  }
0x2b: {  	s6 =	sld [smem:$0x3FB5]  }
0x2c: {  	s7 =	sld [smem:$0x3FB6]  }
0x2d: {  	s3 =	simm.s32 $0x108;
	s8 =	sld [smem:$0x3FB7]  }
0x2e: {  	s3 =	simm.s32 @!p0 $0x1082;
	s9 =	sld [smem:$0x3FB8]  }
0x2f: {  	lr =	sadd.s32 s0, s3;
	s0 =	sld [smem:$0x3FAF]  }
0x30: {  	s3 =	sld [smem:$0x3FB2]  }
0x31: {  	[smem:$0x3FBB] =	sst s10  }
0x32: {  	s10 =	sld [smem:$0x3FB9];
	_ =	sdelay $0x3  }
0x33: {  	p0 =	seq.s32 s10, $0x1;
	s10 =	sld [smem:$0x3FBB];
	_ =	sdelay $0x3  }
0x34: {  	[smem:$0x3FBB] =	sst s10  }
0x35: {  	s10 =	sld [smem:$0x3FBA];
	_ =	sdelay $0x3  }
0x36: {  	p1 =	seq.s32 s10, $0x1;
	s10 =	sld [smem:$0x3FBB];
	_ =	sdelay $0x3  }
0x37: {  	[smem:$0x3FBB] =	sst s10  }
0x38: {  	s10 =	sld [smem:$0x3FBC]  }
0x39: {  	_ = 	snop;
	(pc) =	sbr.ind lr, $3  }
0x3a: {  	_ = 	snop  }
0x3b: {  	_ = 	snop  }
0x3c: {  	p2 =	seq.s32 s10, $0x1;
	s10 =	sld [smem:$0x3FBB]  }
0x3d: {  	_ =	shalt  }
0x3e: {  	_ =	shalt  }
0x3f: {  	_ =	shalt  }
0x40: {  	_ =	shalt  }
0x41: {  	_ =	shalt  }
0x42: {  	_ =	shalt  }
0x43: {  	_ =	shalt  }
0x44: {  	_ =	shalt  }
0x45: {  	_ =	shalt  }
0x46: {  	_ =	shalt  }
0x47: {  	_ =	shalt  }
0x48: {  	_ =	shalt  }
0x49: {  	_ =	shalt  }
0x4a: {  	_ =	shalt  }
0x4b: {  	_ =	shalt  }
0x4c: {  	_ =	shalt  }
0x4d: {  	_ =	shalt  }
0x4e: {  	_ =	shalt  }
0x4f: {  	_ =	shalt  }
0x50: {  	_ =	shalt  }
0x51: {  	_ =	shalt  }
0x52: {  	_ =	shalt  }
0x53: {  	_ =	shalt  }
0x54: {  	_ =	shalt  }
0x55: {  	_ =	shalt  }
0x56: {  	_ =	shalt  }
0x57: {  	_ =	shalt  }
0x58: {  	_ =	shalt  }
0x59: {  	_ =	shalt  }
0x5a: {  	_ =	shalt  }
0x5b: {  	_ =	shalt  }
0x5c: {  	_ =	shalt  }
0x5d: {  	_ =	shalt  }
0x5e: {  	_ =	shalt  }
0x5f: {  	_ =	shalt  }
0x60: {  	_ =	shalt  }
0x61: {  	_ =	shalt  }
0x62: {  	_ =	shalt  }
0x63: {  	_ =	shalt  }
0x64: {  	_ =	shalt  }
0x65: {  	_ =	shalt  }
0x66: {  	_ =	shalt  }
0x67: {  	_ =	shalt  }
0x68: {  	_ =	shalt  }
0x69: {  	_ =	shalt  }
0x6a: {  	_ =	shalt  }
0x6b: {  	_ =	shalt  }
0x6c: {  	_ =	shalt  }
0x6d: {  	_ =	shalt  }
0x6e: {  	_ =	shalt  }
0x6f: {  	_ =	shalt  }
0x70: {  	_ =	shalt  }
0x71: {  	_ =	shalt  }
0x72: {  	_ =	shalt  }
0x73: {  	_ =	shalt  }
0x74: {  	_ =	shalt  }
0x75: {  	_ =	shalt  }
0x76: {  	_ =	shalt  }
0x77: {  	_ =	shalt  }
0x78: {  	_ =	shalt  }
0x79: {  	_ =	shalt  }
0x7a: {  	_ =	shalt  }
0x7b: {  	_ =	shalt  }
0x7c: {  	_ =	shalt  }
0x7d: {  	_ =	shalt  }
0x7e: {  	_ =	shalt  }
0x7f: {  	_ =	shalt  }
0x80: {  	_ =	shalt  }
0x81: {  	_ =	shalt  }
0x82: {  	_ =	shalt  }
0x83: {  	_ =	shalt  }
0x84: {  	_ =	shalt  }
0x85: {  	_ =	shalt  }
0x86: {  	_ =	shalt  }
0x87: {  	_ =	shalt  }
.Lfunc_end0:
.L_simem_size_0:
called_computation_lowered:
.L_overlay_start_0:
0x88: {  	s2 =	sld [smem:$0x3FD9]  }
0x89: {  	s3 =	sld [smem:$0x3FFE];
	_ =	sdelay $0x1  }
0x8a: {  	s1 =	srdreg.scid  }
0x8b: {  	s0 =	sand.u32 $0x1, s1  }
0x8c: {  	s18 =	sshll.u32 s0, $0xA;
	s2 =	sadd.s32 s3, s2  }
0x8d: {  	s2 =	sadd.s32 s2, s18  }
0x8e: {  	[smem:$0x3FC7] =	sst s2  }
0x8f: {  	_ = 	snop  }
0x90: {  	s2 =	sld [smem:$0x3FC9]  }
0x91: {  	s19 =	sld [smem:$0x3FD0];
	(tm) =	ssettm $0x1  }
0x92: {  	s4 =	sld [smem:$0x3FFB];
	_ =	sdelay $0x3  }
0x93: {  	_ =	strace s4  }
0x94: {  	s4 =	sld [smem:$0x3FFC];
	_ =	sdelay $0x3  }
0x95: {  	_ =	strace s4  }
0x96: {  	s4 =	sld [smem:$0x3FFD];
	_ =	sdelay $0x3  }
0x97: {  	_ =	strace s4  }
0x98: {  	_ =	strace $0x8FFFFFFF  }
0x99: {  	s20 =	sld [smem:$0x3FDB];
	_ =	sdelay $0x1  }
0x9a: {  	s5 =	simm.s32 $_scs_section_size  }
0x9b: {  	s6 =	simm.s32 $_size__tile_overlayer_lowered;
	s7 =	simm.s32 $_tile_overlayer_lowered  }
0x9c: {  	s23 =	simm.s32 $0x1BFF;
	s22 =	sshll.u32 s7, $0x1;
	s4 =	sadd.s32 s5, s20  }
0x9d: {  	s8 =	simm.s32 $0x0;
	s21 =	sshll.u32 s6, $0x1;
	s6 =	sadd.s32 s22, s4  }
0x9e: {  	[timem:s8], [sflag:s23] =	dma.local [hbm:s6], s21  }
0x9f: {  	_ =	swait.ge [sflag:s23], s21  }
0xa0: {  	s5 =	ssub.s32 $0x0, s21;
	[sflag:s23] =	ssyncset.done $0x0  }
0xa1: {  	[sflag:s23] =	ssyncadd.s32 s5;
	_ =	sdelay $0x1  }
0xa2: {  	s24 =	simm.s32 $0x1B8B  }
0xa3: {  	_ =	swait.ge [sflag:s24], $0x1  }
0xa4: {  	[sflag:s24] =	ssyncset.done $0x0  }
0xa5: {  	s25 =	simm.s32 $0x1B8E;
	[sflag:s24] =	ssyncadd.s32 $0xFFFFFFFF  }
0xa6: {  	s26 =	simm.s32 $execute0_lowered;
	[smem:$0x3FD2] =	sst s25  }
0xa7: {  	s5 =	sshll.u32 s26, $0x1;
	_ =	strace $0x80000046;
	[dreg:$0x1] =	wrdreg $0xFFFFFFFF  }
0xa8: {  	s28 =	simm.s32 $_size_execute0_lowered;
	s4 =	sadd.s32 s4, s5;
	[dreg:$0x0] =	wrdreg $0x0  }
0xa9: {  	s5 =	sshll.u32 s28, $0x1;
	[dreg:$0x2] =	wrdreg s4  }
0xaa: {  	[dreg:$0x3] =	wrdreg s5  }
0xab: {  	[dreg:$0x4] =	wrdreg $0xC0  }
0xac: {  	_ =	task [dreg:s8], $0x5FFFF  }
0xad: {  	[dreg:$0x1] =	wrdreg $0xFFFFFFFF  }
0xae: {  	[dreg:$0x0] =	wrdreg $0x60  }
0xaf: {  	[dreg:$0x2] =	wrdreg s2  }
0xb0: {  	[dreg:$0x3] =	wrdreg s19  }
0xb1: {  	[dreg:$0x4] =	wrdreg $0xC0800  }
0xb2: {  	[dreg:$0x5] =	wrdreg $0x9  }
0xb3: {  	_ =	task.clear_ibuf [dreg:s8], $0x6FFFF;
	_ =	strace $0x90000046  }
0xb4: {  	s29 =	simm.s32 $0x9;
	_ =	strace $0x80000048  }
0xb5: {  	_ =	swait.ge [sflag:s29], $0x1  }
0xb6: {  	[sflag:s29] =	ssyncadd.s32 $0xFFFFFFFF  }
0xb7: {  	_ =	strace $0x90000048  }
0xb8: {  	_ =	sfence  }
0xb9: {  	s30 =	sld [smem:$0x0];
	_ =	sdelay $0x2  }
0xba: {  	s31 =	sshll.u32 s1, $0xD;
	s1 =	sshrl.u32 s1, $0x2  }
0xbb: {  	s3 =	sand.u32 $0x4000, s31;
	s1 =	sadd.s32 s1, s30  }
0xbc: {  	s0 =	sor.u32 s3, s0;
	s1 =	sshll.u32 s1, $0x11  }
0xbd: {  	s0 =	sor.u32 s1, s0  }
0xbe: {  	s0 =	sadd.s32 $0x8F2B, s0  }
0xbf: {  	[sflag:s0] =	ssyncadd.remote.s32 $0x1  }
0xc0: {  	_ =	sfence.sel $0xFFFF  }
0xc1: {  	[dreg:$0x0] =	wrdreg $0xFFFFFFFF;
	(pc) =	sbr.abs _section_cstart, $3  }
0xc2: {  	[dreg:$0x1] =	wrdreg $0xFFFFFFFF  }
0xc3: {  	_ =	task.clear_ibuf [dreg:s8], $0x2FFFF;
	_ =	strace $0x9FFFFFFF  }
0xc4: {  	(tm) =	ssettm $0x7FFFFFFF  }
0xc5: {  	_ =	shalt  }
tec
execute0_lowered:
.L_overlay_start_1:
0x0: {  	(tag) =	ssettag $0x1  }
0x1: {  	s1 =	rddreg [dreg:$0x0]  }
0x2: {  	s8 =	rddreg [dreg:$0x1]  }
0x3: {  	s2 =	rddreg [dreg:$0x2];
	s4 =	srdreg.scid  }
0x4: {  	s0 =	rddreg [dreg:$0x3];
	s3 =	simm.s32 $0x0;
	s10 =	stileid.u32  }
0x5: {  	s12 =	simm.s32 $0x3000;
	s13 =	simm.s32 $0x1;
	s14 =	simm.s32 $0x4000  }
0x6: {  	s16 =	simm.s32 $0x3;
	s17 =	simm.s32 $0x4;
	s4 =	sand.u32 $0x1, s4  }
0x7: {  	[smem:$0x7FF] =	sst s3;
	s7 =	sshll.u32 s10, $0x1;
	p1 =	seq.s32 s10, $0xF  }
0x8: {  	p0 =	sne.s32 s10, $0x0;
	s10 =	simm.s32 $0x1000;
	s5 =	ssub.s32 $0x2, s4  }
0x9: {  	_ =	strace $0x80000047;
	s11 =	sor.u32 s4, s7;
	s4 =	sadd.s32 $0x1000, s2  }
0xa: {  	s6 =	sshrl.u32 s5, $0x1;
	s7 =	sshll.u32 s11, $0xC;
	s15 =	sshll.u32 s11, $0xF  }
0xb: {  	p2 =	sne.s32 s11, $0x1E;
	s11 =	simm.s32 $0x2000;
	s9 =	ssub.s32 s5, s6  }
0xc: {  	v0 =	vlaneseq.u32;
	s5 =	sadd.s32 $0x2000, s2;
	s6 =	sadd.s32 $0x3000, s2;
	s7 =	sadd.s32 s8, s7  }
0xd: {  	v2 =	vimm.s32 $0x0;
	v3 =	vor.u32 $0x8000, v0;
	s8 =	sadd.s32 $0x1E000, s8;
	v1 =	vmov s15;
	s15 =	simm.s32 $0x2;
	s9 =	smax.u32 s9, $0x1  }
.LBB2_1:
.Ltmp0:
0xe: {  	(pc) =	sbr.rel @p1 .LBB2_5-.Ltmp0, $1  }
0xf: {  	_ =	sdelay $0x3  }
0x10: {  	s18 =	sshrl.u32 @!p0 s2, $0x3;
	s19 =	simm.s32 @!p0 $0x1C05  }
0x11: {  	[spmem:s18], [sflag:s19] =	dma.local @!p0 [hbm:s1], $0x800  }
0x12: {  	s18 =	simm.s32 $0x4080  }
0x13: {  	[tilespmem:s18+$0xFFFFFF80] =	vst v2  }
0x14: {  	[tilespmem:s18+$0x70] =	vst v2  }
0x15: {  	[tilespmem:s18+$0x60] =	vst v2  }
0x16: {  	[tilespmem:s18+$0x50] =	vst v2  }
0x17: {  	[tilespmem:s18+$0x40] =	vst v2  }
0x18: {  	[tilespmem:s18+$0x30] =	vst v2  }
0x19: {  	[tilespmem:s18+$0x20] =	vst v2  }
0x1a: {  	[tilespmem:s18+$0x10] =	vst v2  }
0x1b: {  	[tilespmem:s18+$0x0] =	vst v2  }
0x1c: {  	[tilespmem:s18+$0xFFFFFFF0] =	vst v2  }
0x1d: {  	[tilespmem:s18+$0xFFFFFFE0] =	vst v2  }
0x1e: {  	[tilespmem:s18+$0xFFFFFFD0] =	vst v2  }
0x1f: {  	[tilespmem:s18+$0xFFFFFFC0] =	vst v2  }
0x20: {  	[tilespmem:s18+$0xFFFFFFB0] =	vst v2  }
0x21: {  	s19 =	simm.s32 $0x0;
	[tilespmem:s18+$0xFFFFFFA0] =	vst v2  }
.LBB2_3:
0x22: {  	s19 =	sadd.s32 $0x10, s19;
	[tilespmem:s18+$0xFFFFFF90] =	vst v2;
	s18 =	sadd.s32 $0x100, s18  }
0x23: {  	[tilespmem:s18+$0xFFFFFF80] =	vst v2;
	p3 =	slt.u32 s19, $0x7F0  }
0x24: {  	[tilespmem:s18+$0x70] =	vst v2  }
0x25: {  	[tilespmem:s18+$0x60] =	vst v2  }
0x26: {  	[tilespmem:s18+$0x50] =	vst v2  }
0x27: {  	[tilespmem:s18+$0x40] =	vst v2  }
0x28: {  	[tilespmem:s18+$0x30] =	vst v2  }
0x29: {  	[tilespmem:s18+$0x20] =	vst v2  }
0x2a: {  	[tilespmem:s18+$0x10] =	vst v2  }
0x2b: {  	[tilespmem:s18+$0x0] =	vst v2  }
0x2c: {  	[tilespmem:s18+$0xFFFFFFF0] =	vst v2  }
.Ltmp1:
0x2d: {  	[tilespmem:s18+$0xFFFFFFE0] =	vst v2;
	(pc) =	sbr.rel @p3 .LBB2_3-.Ltmp1, $4  }
0x2e: {  	[tilespmem:s18+$0xFFFFFFD0] =	vst v2  }
0x2f: {  	[tilespmem:s18+$0xFFFFFFC0] =	vst v2  }
0x30: {  	[tilespmem:s18+$0xFFFFFFB0] =	vst v2  }
0x31: {  	[tilespmem:s18+$0xFFFFFFA0] =	vst v2  }
0x32: {  	[tilespmem:s18+$0xFFFFFF90] =	vst v2  }
.LBB2_5:
.Ltmp2:
0x33: {  	(pc) =	sbr.rel @p2 .LBB2_9-.Ltmp2, $1  }
0x34: {  	_ =	sdelay $0x3  }
0x35: {  	s18 =	simm.s32 $0x4080  }
0x36: {  	[tilespmem:s18+$0xFFFFFF80] =	vst v2  }
0x37: {  	[tilespmem:s18+$0x70] =	vst v2  }
0x38: {  	[tilespmem:s18+$0x60] =	vst v2  }
0x39: {  	[tilespmem:s18+$0x50] =	vst v2  }
0x3a: {  	[tilespmem:s18+$0x40] =	vst v2  }
0x3b: {  	[tilespmem:s18+$0x30] =	vst v2  }
0x3c: {  	[tilespmem:s18+$0x20] =	vst v2  }
0x3d: {  	[tilespmem:s18+$0x10] =	vst v2  }
0x3e: {  	[tilespmem:s18+$0x0] =	vst v2  }
0x3f: {  	[tilespmem:s18+$0xFFFFFFF0] =	vst v2  }
0x40: {  	[tilespmem:s18+$0xFFFFFFE0] =	vst v2  }
0x41: {  	[tilespmem:s18+$0xFFFFFFD0] =	vst v2  }
0x42: {  	[tilespmem:s18+$0xFFFFFFC0] =	vst v2  }
0x43: {  	[tilespmem:s18+$0xFFFFFFB0] =	vst v2  }
0x44: {  	s19 =	simm.s32 $0x0;
	[tilespmem:s18+$0xFFFFFFA0] =	vst v2  }
.LBB2_7:
0x45: {  	s19 =	sadd.s32 $0x10, s19;
	[tilespmem:s18+$0xFFFFFF90] =	vst v2;
	s18 =	sadd.s32 $0x100, s18  }
0x46: {  	[tilespmem:s18+$0xFFFFFF80] =	vst v2;
	p3 =	slt.u32 s19, $0x410  }
0x47: {  	[tilespmem:s18+$0x70] =	vst v2  }
0x48: {  	[tilespmem:s18+$0x60] =	vst v2  }
0x49: {  	[tilespmem:s18+$0x50] =	vst v2  }
0x4a: {  	[tilespmem:s18+$0x40] =	vst v2  }
0x4b: {  	[tilespmem:s18+$0x30] =	vst v2  }
0x4c: {  	[tilespmem:s18+$0x20] =	vst v2  }
0x4d: {  	[tilespmem:s18+$0x10] =	vst v2  }
0x4e: {  	[tilespmem:s18+$0x0] =	vst v2  }
0x4f: {  	[tilespmem:s18+$0xFFFFFFF0] =	vst v2  }
.Ltmp3:
0x50: {  	[tilespmem:s18+$0xFFFFFFE0] =	vst v2;
	(pc) =	sbr.rel @p3 .LBB2_7-.Ltmp3, $4  }
0x51: {  	[tilespmem:s18+$0xFFFFFFD0] =	vst v2  }
0x52: {  	[tilespmem:s18+$0xFFFFFFC0] =	vst v2  }
0x53: {  	[tilespmem:s18+$0xFFFFFFB0] =	vst v2  }
0x54: {  	[tilespmem:s18+$0xFFFFFFA0] =	vst v2  }
0x55: {  	[tilespmem:s18+$0xFFFFFF90] =	vst v2  }
0x56: {  	[tilespmem:$0x8200] =	vst v2  }
0x57: {  	[tilespmem:$0x8210] =	vst v2  }
0x58: {  	[tilespmem:$0x8220] =	vst v2  }
0x59: {  	[tilespmem:$0x8230] =	vst v2  }
.LBB2_9:
0x5a: {  	s18 =	simm.s32 @!p0 $0x5  }
0x5b: {  	_ =	swait.ge @!p0 [sflag:s18], $0x800  }
0x5c: {  	[sflag:s18] =	ssyncset.done @!p0 $0x0  }
0x5d: {  	[sflag:s18] =	ssyncadd.s32 @!p0 $0xFFFFF800  }
0x5e: {  	s18 =	simm.s32 $0x0;
	[bflag:$0x0] =	sbarrier.arrive $0xFFFF  }
0x5f: {  	[tilespmem:s18], [sflag:$0x1] =	stream.linear.gather [spmem:s2], $0x1000, $0x38;
	[tilespmem:$0xC480] =	vst v63  }
0x60: {  	_ = 	snop  }
0x61: {  	[tilespmem:s10], [sflag:$0x2] =	stream.linear.gather [spmem:s4], $0x1000, $0x38;
	[tilespmem:$0xC480] =	vst v63  }
0x62: {  	_ = 	snop  }
0x63: {  	[tilespmem:s11], [sflag:$0x3] =	stream.linear.gather [spmem:s5], $0x1000, $0x38;
	[tilespmem:$0xC480] =	vst v63  }
0x64: {  	_ = 	snop  }
0x65: {  	[tilespmem:s12], [sflag:$0x4] =	stream.linear.gather [spmem:s6], $0x1000, $0x38;
	[tilespmem:$0xC480] =	vst v63  }
0x66: {  	_ =	swait.ge [sflag:s13], $0x1000  }
0x67: {  	[sflag:s13] =	ssyncset.done $0x0  }
0x68: {  	s19 =	simm.s32 $0xFFFFFFFC;
	s20 =	simm.s32 $0x20;
	[sflag:s13] =	ssyncadd.s32 $0xFFFFF000  }
.LBB2_10:
0x69: {  	v4 =	vld [tilespmem:s20+$0xFFFFFFE0];
	_ =	sdelay $0x4  }
0x6a: {  	v4 =	vsub.s32 v4, v1  }
0x6b: {  	v4 =	vmin.u32 v4, v3;
	_ =	sdelay $0x3  }
0x6c: {  	v5 =	vor.u32 s18, v0  }
0x6d: {  	[tilespmem:v4+s14+$0x0] =	vst.idx.msk $0xffff, v5  }
0x6e: {  	v4 =	vld [tilespmem:s20+$0xFFFFFFF0];
	_ =	sdelay $0x4  }
0x6f: {  	v4 =	vsub.s32 v4, v1  }
0x70: {  	v4 =	vmin.u32 v4, v3;
	_ =	sdelay $0x2  }
0x71: {  	s21 =	sadd.s32 $0x10, s18  }
0x72: {  	v5 =	vor.u32 s21, v0  }
0x73: {  	[tilespmem:v4+s14+$0x0] =	vst.idx.msk $0xffff, v5  }
0x74: {  	v4 =	vld [tilespmem:s20+$0x0];
	_ =	sdelay $0x4  }
0x75: {  	v4 =	vsub.s32 v4, v1  }
0x76: {  	v4 =	vmin.u32 v4, v3;
	_ =	sdelay $0x2  }
0x77: {  	s30 =	sadd.s32 $0x20, s18  }
0x78: {  	v5 =	vor.u32 s30, v0  }
0x79: {  	[tilespmem:v4+s14+$0x0] =	vst.idx.msk $0xffff, v5  }
0x7a: {  	v4 =	vld [tilespmem:s20+$0x10];
	_ =	sdelay $0x4  }
0x7b: {  	s19 =	sadd.s32 $0x4, s19;
	v4 =	vsub.s32 v4, v1  }
0x7c: {  	p3 =	slt.u32 s19, $0xFC;
	v4 =	vmin.u32 v4, v3  }
.Ltmp4:
0x7d: {  	_ = 	snop;
	(pc) =	sbr.rel @p3 .LBB2_10-.Ltmp4, $4  }
0x7e: {  	_ = 	snop  }
0x7f: {  	s31 =	sadd.s32 $0x30, s18  }
0x80: {  	v5 =	vor.u32 s31, v0  }
0x81: {  	s18 =	sadd.s32 $0x40, s18;
	s20 =	sadd.s32 $0x40, s20;
	[tilespmem:v4+s14+$0x0] =	vst.idx.msk $0xffff, v5  }
0x82: {  	_ =	swait.ge [sflag:s15], $0x1000  }
0x83: {  	s18 =	simm.s32 $0xFC;
	[sflag:s15] =	ssyncset.done $0x0  }
0x84: {  	s19 =	simm.s32 $0x1000;
	s20 =	simm.s32 $0x1030;
	[sflag:s15] =	ssyncadd.s32 $0xFFFFF000  }
.LBB2_12:
0x85: {  	v4 =	vld [tilespmem:s20+$0xFFFFFFD0];
	_ =	sdelay $0x4  }
0x86: {  	v4 =	vsub.s32 v4, v1  }
0x87: {  	v4 =	vmin.u32 v4, v3;
	_ =	sdelay $0x3  }
0x88: {  	v5 =	vor.u32 s19, v0  }
0x89: {  	[tilespmem:v4+s14+$0x0] =	vst.idx.msk $0xffff, v5  }
0x8a: {  	v4 =	vld [tilespmem:s20+$0xFFFFFFE0];
	_ =	sdelay $0x4  }
0x8b: {  	v4 =	vsub.s32 v4, v1  }
0x8c: {  	v4 =	vmin.u32 v4, v3;
	_ =	sdelay $0x2  }
0x8d: {  	s21 =	sadd.s32 $0x10, s19  }
0x8e: {  	v5 =	vor.u32 s21, v0  }
0x8f: {  	[tilespmem:v4+s14+$0x0] =	vst.idx.msk $0xffff, v5  }
0x90: {  	v4 =	vld [tilespmem:s20+$0xFFFFFFF0];
	_ =	sdelay $0x4  }
0x91: {  	v4 =	vsub.s32 v4, v1  }
0x92: {  	v4 =	vmin.u32 v4, v3;
	_ =	sdelay $0x2  }
0x93: {  	s30 =	sadd.s32 $0x20, s19  }
0x94: {  	v5 =	vor.u32 s30, v0  }
0x95: {  	[tilespmem:v4+s14+$0x0] =	vst.idx.msk $0xffff, v5  }
0x96: {  	v4 =	vld [tilespmem:s20+$0x0];
	_ =	sdelay $0x4  }
0x97: {  	s18 =	sadd.s32 $0x4, s18;
	v4 =	vsub.s32 v4, v1  }
0x98: {  	p3 =	slt.u32 s18, $0x1FC;
	v4 =	vmin.u32 v4, v3  }
.Ltmp5:
0x99: {  	_ = 	snop;
	(pc) =	sbr.rel @p3 .LBB2_12-.Ltmp5, $4  }
0x9a: {  	_ = 	snop  }
0x9b: {  	s31 =	sadd.s32 $0x30, s19  }
0x9c: {  	v5 =	vor.u32 s31, v0  }
0x9d: {  	s19 =	sadd.s32 $0x40, s19;
	s20 =	sadd.s32 $0x40, s20;
	[tilespmem:v4+s14+$0x0] =	vst.idx.msk $0xffff, v5  }
0x9e: {  	_ =	swait.ge [sflag:s16], $0x1000  }
0x9f: {  	s18 =	simm.s32 $0x1FC;
	[sflag:s16] =	ssyncset.done $0x0  }
0xa0: {  	s19 =	simm.s32 $0x2000;
	s20 =	simm.s32 $0x2030;
	[sflag:s16] =	ssyncadd.s32 $0xFFFFF000  }
.LBB2_14:
0xa1: {  	v4 =	vld [tilespmem:s20+$0xFFFFFFD0];
	_ =	sdelay $0x4  }
0xa2: {  	v4 =	vsub.s32 v4, v1  }
0xa3: {  	v4 =	vmin.u32 v4, v3;
	_ =	sdelay $0x3  }
0xa4: {  	v5 =	vor.u32 s19, v0  }
0xa5: {  	[tilespmem:v4+s14+$0x0] =	vst.idx.msk $0xffff, v5  }
0xa6: {  	v4 =	vld [tilespmem:s20+$0xFFFFFFE0];
	_ =	sdelay $0x4  }
0xa7: {  	v4 =	vsub.s32 v4, v1  }
0xa8: {  	v4 =	vmin.u32 v4, v3;
	_ =	sdelay $0x2  }
0xa9: {  	s21 =	sadd.s32 $0x10, s19  }
0xaa: {  	v5 =	vor.u32 s21, v0  }
0xab: {  	[tilespmem:v4+s14+$0x0] =	vst.idx.msk $0xffff, v5  }
0xac: {  	v4 =	vld [tilespmem:s20+$0xFFFFFFF0];
	_ =	sdelay $0x4  }
0xad: {  	v4 =	vsub.s32 v4, v1  }
0xae: {  	v4 =	vmin.u32 v4, v3;
	_ =	sdelay $0x2  }
0xaf: {  	s30 =	sadd.s32 $0x20, s19  }
0xb0: {  	v5 =	vor.u32 s30, v0  }
0xb1: {  	[tilespmem:v4+s14+$0x0] =	vst.idx.msk $0xffff, v5  }
0xb2: {  	v4 =	vld [tilespmem:s20+$0x0];
	_ =	sdelay $0x4  }
0xb3: {  	s18 =	sadd.s32 $0x4, s18;
	v4 =	vsub.s32 v4, v1  }
0xb4: {  	p3 =	slt.u32 s18, $0x2FC;
	v4 =	vmin.u32 v4, v3  }
.Ltmp6:
0xb5: {  	_ = 	snop;
	(pc) =	sbr.rel @p3 .LBB2_14-.Ltmp6, $4  }
0xb6: {  	_ = 	snop  }
0xb7: {  	s31 =	sadd.s32 $0x30, s19  }
0xb8: {  	v5 =	vor.u32 s31, v0  }
0xb9: {  	s19 =	sadd.s32 $0x40, s19;
	s20 =	sadd.s32 $0x40, s20;
	[tilespmem:v4+s14+$0x0] =	vst.idx.msk $0xffff, v5  }
0xba: {  	_ =	swait.ge [sflag:s17], $0x1000  }
0xbb: {  	s18 =	simm.s32 $0x2FC;
	[sflag:s17] =	ssyncset.done $0x0  }
0xbc: {  	s19 =	simm.s32 $0x3000;
	s20 =	simm.s32 $0x3030;
	[sflag:s17] =	ssyncadd.s32 $0xFFFFF000  }
.LBB2_16:
0xbd: {  	v4 =	vld [tilespmem:s20+$0xFFFFFFD0];
	_ =	sdelay $0x4  }
0xbe: {  	v4 =	vsub.s32 v4, v1  }
0xbf: {  	v4 =	vmin.u32 v4, v3;
	_ =	sdelay $0x3  }
0xc0: {  	v5 =	vor.u32 s19, v0  }
0xc1: {  	[tilespmem:v4+s14+$0x0] =	vst.idx.msk $0xffff, v5  }
0xc2: {  	v4 =	vld [tilespmem:s20+$0xFFFFFFE0];
	_ =	sdelay $0x4  }
0xc3: {  	v4 =	vsub.s32 v4, v1  }
0xc4: {  	v4 =	vmin.u32 v4, v3;
	_ =	sdelay $0x2  }
0xc5: {  	s21 =	sadd.s32 $0x10, s19  }
0xc6: {  	v5 =	vor.u32 s21, v0  }
0xc7: {  	[tilespmem:v4+s14+$0x0] =	vst.idx.msk $0xffff, v5  }
0xc8: {  	v4 =	vld [tilespmem:s20+$0xFFFFFFF0];
	_ =	sdelay $0x4  }
0xc9: {  	v4 =	vsub.s32 v4, v1  }
0xca: {  	v4 =	vmin.u32 v4, v3;
	_ =	sdelay $0x2  }
0xcb: {  	s30 =	sadd.s32 $0x20, s19  }
0xcc: {  	v5 =	vor.u32 s30, v0  }
0xcd: {  	[tilespmem:v4+s14+$0x0] =	vst.idx.msk $0xffff, v5  }
0xce: {  	v4 =	vld [tilespmem:s20+$0x0];
	_ =	sdelay $0x4  }
0xcf: {  	s18 =	sadd.s32 $0x4, s18;
	v4 =	vsub.s32 v4, v1  }
0xd0: {  	p3 =	slt.u32 s18, $0x3FC;
	v4 =	vmin.u32 v4, v3  }
.Ltmp7:
0xd1: {  	_ = 	snop;
	(pc) =	sbr.rel @p3 .LBB2_16-.Ltmp7, $4  }
0xd2: {  	_ = 	snop  }
0xd3: {  	s31 =	sadd.s32 $0x30, s19  }
0xd4: {  	v5 =	vor.u32 s31, v0  }
0xd5: {  	s19 =	sadd.s32 $0x40, s19;
	s20 =	sadd.s32 $0x40, s20;
	[tilespmem:v4+s14+$0x0] =	vst.idx.msk $0xffff, v5  }
0xd6: {  	s18 =	simm.s32 @!p1 $0x0;
	s19 =	simm.s32 @!p1 $0x4000  }
0xd7: {  	[hbm4b:s7+s18] =	stream.linear.scatter @!p1 [tilespmem:s19], [sflag:$0x6], $0x8000, $0x38;
	[tilespmem:$0xC480] =	vst v63  }
0xd8: {  	s18 =	simm.s32 @!p1 $0x6  }
0xd9: {  	_ =	swait.ge @!p1 [sflag:s18], $0x8000  }
0xda: {  	s3 =	sadd.s32 $0x1, s3;
	s19 =	simm.s32 @!p2 $0x4000;
	[sflag:s18] =	ssyncset.done @!p1 $0x0  }
0xdb: {  	p3 =	sne.s32 s3, s9;
	[sflag:s18] =	ssyncadd.s32 @!p1 $0xFFFF8000;
	s18 =	simm.s32 @!p2 $0x0  }
0xdc: {  	[hbm4b:s8+s18] =	stream.linear.scatter @!p2 [tilespmem:s19], [sflag:$0x6], $0x4240, $0x38;
	[tilespmem:$0xC480] =	vst v63  }
.Ltmp8:
0xdd: {  	_ = 	snop;
	(pc) =	sbr.rel @p3 .LBB2_1-.Ltmp8, $4  }
0xde: {  	s18 =	simm.s32 @!p2 $0x6  }
0xdf: {  	_ =	swait.ge @!p2 [sflag:s18], $0x4240  }
0xe0: {  	[sflag:s18] =	ssyncset.done @!p2 $0x0  }
0xe1: {  	[sflag:s18] =	ssyncadd.s32 @!p2 $0xFFFFBDC0  }
0xe2: {  	_ =	sfence.sel $0x180000  }
0xe3: {  	[bflag:$0x0] =	sbarrier.arrive $0xFFFF  }
0xe4: {  	_ =	strace $0x90000047  }
0xe5: {  	s0 =	sadd.s32 @!p0 $0x100000, s0;
	[bflag:$0x2] =	sbarrier.arrive $0xFFFF  }
0xe6: {  	[sflag:s0] =	ssyncadd.tile.s32 @!p0 $0x1;
	_ =	shalt  }
.Lfunc_end2:
_tile_overlayer_lowered:
.L_overlay_start_2:
0xe7: {  	(tag) =	ssettag $0x2  }
0xe8: {  	s0 =	rddreg [dreg:$0x0];
	s2 =	stileid.u32  }
0xe9: {  	s1 =	rddreg [dreg:$0x1];
	p0 =	sne.s32 s2, $0x0  }
0xea: {  	s3 =	rddreg [dreg:$0x2];
	[bflag:$0x3] =	sbarrier.arrive $0xFFFF;
	s2 =	simm.s32 @!p0 $0x1C06  }
0xeb: {  	[timem:s3], [sflag:s2] =	dma.local @!p0 [hbm:s0], s1  }
0xec: {  	s0 =	simm.s32 @!p0 $0x6  }
0xed: {  	_ =	swait.ge @!p0 [sflag:s0], s1  }
0xee: {  	s1 =	ssub.s32 @!p0 $0x0, s1;
	[sflag:s0] =	ssyncset.done @!p0 $0x0  }
0xef: {  	[sflag:s0] =	ssyncadd.s32 @!p0 s1  }
0xf0: {  	[bflag:$0x3] =	sbarrier.arrive $0xFFFF  }
0xf1: {  	_ =	shalt  }

</sc_bundles>
